<compile_context>
chip_gen: v7x
topology: tpu7x:2x2x1
jax: 0.10.2.dev20260603
libtpu: 0.0.44.dev20260713+nightly
codegen_flags: <defaults>
</compile_context>

<pallas_src>
import functools

import jax
import jax.numpy as jnp
from jax import lax
from jax.experimental import pallas as pl
from jax.experimental.pallas import tpu as pltpu
from jax.experimental.pallas import tpu_sc as plsc

B = 4096
L_SEQ = 200
D = 64
HALF = L_SEQ // 2

NC = 2
NS = 16
NW = NC * NS
RPW = B // NW


def _sc_pool_sums(emb_table, ids2):
    mesh = plsc.VectorSubcoreMesh(
        core_axis_name="c", subcore_axis_name="s", num_cores=NC, num_subcores=NS
    )

    @functools.partial(
        pl.kernel,
        mesh=mesh,
        compiler_params=pltpu.CompilerParams(use_tc_tiling_on_sc=False),
        out_type=jax.ShapeDtypeStruct((B, D), jnp.float32),
        scratch_types=[
            pltpu.VMEM((2 * RPW, HALF), jnp.int32),
            pltpu.VMEM((2, L_SEQ, D), jnp.float32),
            pltpu.VMEM((RPW, D), jnp.float32),
            pltpu.SemaphoreType.DMA,
            pltpu.SemaphoreType.DMA,
        ],
    )
    def k(emb_hbm, ids_hbm, out_hbm, ids_v, rows_v, out_v, sem0, sem1):
        wid = lax.axis_index("s") * NC + lax.axis_index("c")
        base2 = wid * (2 * RPW)
        pltpu.sync_copy(ids_hbm.at[pl.ds(base2, 2 * RPW)], ids_v)

        def descs(row, buf):
            sem = sem0 if buf == 0 else sem1
            d0 = pltpu.make_async_copy(
                emb_hbm.at[ids_v.at[2 * row]],
                rows_v.at[buf, pl.ds(0, HALF)],
                sem,
            )
            d1 = pltpu.make_async_copy(
                emb_hbm.at[ids_v.at[2 * row + 1]],
                rows_v.at[buf, pl.ds(HALF, HALF)],
                sem,
            )
            return d0, d1

        def start(row, buf):
            d0, d1 = descs(row, buf)
            d0.start()
            d1.start()

        def wait(row, buf):
            d0, d1 = descs(row, buf)
            d0.wait()
            d1.wait()

        def accum(row, buf):
            zero = jnp.zeros((16,), jnp.float32)

            def body(l, accs):
                a = list(accs)
                for u in range(4):
                    for g in range(4):
                        k = (u % 2) * 4 + g
                        a[k] = a[k] + rows_v[buf, 4 * l + u, pl.ds(g * 16, 16)]
                return tuple(a)

            accs = lax.fori_loop(0, L_SEQ // 4, body, (zero,) * 8)
            for g in range(4):
                out_v[row, pl.ds(g * 16, 16)] = accs[g] + accs[4 + g]

        start(0, 0)
        start(1, 1)

        def pair(p, carry):
            i0 = 2 * p
            wait(i0, 0)
            accum(i0, 0)
            start(i0 + 2, 0)
            wait(i0 + 1, 1)
            accum(i0 + 1, 1)
            start(i0 + 3, 1)
            return carry

        lax.fori_loop(0, RPW // 2 - 1, pair, 0)
        wait(RPW - 2, 0)
        accum(RPW - 2, 0)
        wait(RPW - 1, 1)
        accum(RPW - 1, 1)
        pltpu.sync_copy(out_v, out_hbm.at[pl.ds(wid * RPW, RPW)])

    return k(emb_table, ids2)


BL = 512


def _video_body(vid_ref, ids_ref, wb_ref, vb_ref, v_ref, den_ref):
    v_ref[...] = (
        jnp.dot(wb_ref[...], vid_ref[...], preferred_element_type=jnp.float32)
        + vb_ref[...]
    )
    cnt = jnp.sum((ids_ref[...] != 0).astype(jnp.float32), axis=0, keepdims=True)
    den_ref[...] = jnp.maximum(cnt, 1.0)


def _tc_video(vid2, ids_t, w_big, vid_b2):
    grid = (B // BL,)
    return pl.pallas_call(
        _video_body,
        grid=grid,
        in_specs=[
            pl.BlockSpec((12 * 256, BL), lambda i: (0, i)),
            pl.BlockSpec((L_SEQ, BL), lambda i: (0, i)),
            pl.BlockSpec((D, 12 * 256), lambda i: (0, 0)),
            pl.BlockSpec((D, 1), lambda i: (0, 0)),
        ],
        out_specs=[
            pl.BlockSpec((D, BL), lambda i: (0, i)),
            pl.BlockSpec((1, BL), lambda i: (0, i)),
        ],
        out_shape=[
            jax.ShapeDtypeStruct((D, B), jnp.float32),
            jax.ShapeDtypeStruct((1, B), jnp.float32),
        ],
    )(vid2, ids_t, w_big, vid_b2)


def _final_body(pooled_ref, v_ref, den_ref, wt_ref, tb_ref, out_ref):
    x = pooled_ref[...] / den_ref[...]
    x = (
        jnp.dot(wt_ref[...], x, preferred_element_type=jnp.float32)
        + tb_ref[...]
    )
    v = v_ref[...]
    vn = v / jnp.maximum(
        jnp.sqrt(jnp.sum(v * v, axis=0, keepdims=True)), 1e-12
    )
    xn = x / jnp.maximum(
        jnp.sqrt(jnp.sum(x * x, axis=0, keepdims=True)), 1e-12
    )
    cos = jnp.sum(vn * xn, axis=0, keepdims=True) / jnp.maximum(
        jnp.sqrt(jnp.sum(vn * vn, axis=0, keepdims=True))
        * jnp.sqrt(jnp.sum(xn * xn, axis=0, keepdims=True)),
        1e-8,
    )
    loss = jnp.sum(1.0 - cos) * (1.0 / B)
    out_ref[...] = jnp.reshape(loss, (1, 1))


def _tc_final(pooled_t, v_t, den_t, txt_w, txt_b2):
    out = pl.pallas_call(
        _final_body,
        grid=(1,),
        in_specs=[
            pl.BlockSpec((D, B), lambda i: (0, 0)),
            pl.BlockSpec((D, B), lambda i: (0, 0)),
            pl.BlockSpec((1, B), lambda i: (0, 0)),
            pl.BlockSpec((D, D), lambda i: (0, 0)),
            pl.BlockSpec((D, 1), lambda i: (0, 0)),
        ],
        out_specs=pl.BlockSpec((1, 1), lambda i: (0, 0)),
        out_shape=jax.ShapeDtypeStruct((1, 1), jnp.float32),
    )(pooled_t, v_t, den_t, txt_w, txt_b2)
    return out[0, 0]


def kernel(video, caption_ids, emb_table, txt_w, txt_b, vid_w, vid_b):
    ids = caption_ids.astype(jnp.int32)
    pooled = _sc_pool_sums(emb_table, ids.reshape(B * 2, HALF))
    vid2 = video.transpose(1, 2, 3, 4, 0).reshape(12 * 256, B)
    ids_t = ids.T
    w_big = jnp.tile(jnp.repeat(vid_w * (1.0 / 1024.0), 256, axis=1), (1, 4))
    v_t, den_t = _tc_video(vid2, ids_t, w_big, vid_b.reshape(D, 1))
    return _tc_final(pooled.T, v_t, den_t, txt_w, txt_b.reshape(D, 1))

# --- scband reference (transcript-rebuilt; emitter-appended) ---
"""Pipeline reference for scband-simple-align-model-82798379532513 (READ-ONLY COPY).

The authoritative reference and input builder live on the scoring server;
editing this copy changes nothing except your own understanding.
"""

import jax, jax.numpy as jnp
import numpy as np

VOCAB = 1000000
PAD_ID = 0
D = 64
B = 4096
L = 200


def _normalize(x, eps=1e-12):
    n = jnp.linalg.norm(x, axis=-1, keepdims=True)
    return x / jnp.maximum(n, eps)


def setup_inputs(seed: int = 0) -> dict:
    key = jax.random.key(seed)
    k1, k2, k3, k4, k5 = jax.random.split(key, 5)
    video = jax.random.normal(k1, (B, 4, 3, 16, 16), dtype=jnp.float32)
    caption_ids = jax.random.randint(k2, (B, L), 0, VOCAB)
    emb_table = jax.random.normal(k3, (VOCAB, D), dtype=jnp.float32) * 0.02
    emb_table = emb_table.at[PAD_ID].set(0.0)  # padding_idx row is zero
    txt_w = jax.random.normal(k4, (D, D), dtype=jnp.float32) * 0.02
    txt_b = jnp.zeros((D,), dtype=jnp.float32)
    vid_w = jax.random.normal(k5, (D, 3), dtype=jnp.float32) * 0.02
    vid_b = jnp.zeros((D,), dtype=jnp.float32)
    return {
        "video": video,
        "caption_ids": caption_ids,
        "emb_table": emb_table,
        "txt_w": txt_w,
        "txt_b": txt_b,
        "vid_w": vid_w,
        "vid_b": vid_b,
    }


def reference(video, caption_ids, emb_table, txt_w, txt_b, vid_w, vid_b):
    # video branch: mean over (T, H, W) -> [B, 3] -> linear -> L2 normalize
    v = video.mean(axis=(1, 3, 4))
    v = v @ vid_w.T + vid_b
    v = _normalize(v)

    # text branch: embedding lookup, masked mean over sequence, linear, L2 normalize
    mask = (caption_ids != PAD_ID).astype(jnp.float32)
    x = jnp.take(emb_table, caption_ids, axis=0)  # [B, L, D] gather
    denom = jnp.clip(mask.sum(axis=1, keepdims=True), 1.0, None)
    x = (x * mask[..., None]).sum(axis=1) / denom
    x = x @ txt_w.T + txt_b
    x = _normalize(x)

    # CosineEmbeddingLoss with target = +1: mean(1 - cos(v, x))
    cos = (v * x).sum(axis=-1) / jnp.maximum(
        jnp.linalg.norm(v, axis=-1) * jnp.linalg.norm(x, axis=-1), 1e-8
    )
    loss = jnp.mean(1.0 - cos)
    return loss

if __name__ == "__main__":
    import jax
    _d = setup_inputs()
    print(jax.jit(kernel)(*tuple(_d.values())))

</pallas_src>

<mosaic_0001>
#map = affine_map<(d0, d1) -> (0, 0)>
module attributes {stable_mosaic.version = 14 : i64} {
  func.func @k(%arg0: i32, %arg1: i32, %arg2: memref<1000000x64xf32, #tpu.memory_space<hbm>>, %arg3: memref<8192x100xi32, #tpu.memory_space<hbm>>, %arg4: memref<4096x64xf32, #tpu.memory_space<hbm>>, %arg5: memref<256x100xi32, #tpu.memory_space<vmem>>, %arg6: memref<2x200x64xf32, #tpu.memory_space<vmem>>, %arg7: memref<128x64xf32, #tpu.memory_space<vmem>>, %arg8: memref<!tpu.dma_semaphore, #tpu.memory_space<semaphore_mem>>, %arg9: memref<!tpu.dma_semaphore, #tpu.memory_space<semaphore_mem>>) attributes {dimension_semantics = [#tpu.dimension_semantics<core_parallel>, #tpu.dimension_semantics<subcore_parallel>], iteration_bounds = array<i64: 2, 16>, scalar_prefetch = 0 : i64, scratch_operands = 5 : i64, tpu.core_type = #tpu.core_type<sc_vector_subcore>, window_params = [{transform_indices = #map}, {transform_indices = #map}, {transform_indices = #map}]} {
    %mul3A = arith.constant 2 : i32
    %mul3A_0 = arith.muli %arg1, %mul3A : i32
    %add3A = arith.addi %mul3A_0, %arg0 : i32
    %mul3A_1 = arith.constant 256 : i32
    %mul3A_2 = arith.muli %add3A, %mul3A_1 : i32
    "tpu.region"() ({
      %run_scoped3A = tpu.sem_alloc : memref<!tpu.dma_semaphore, #tpu.memory_space<semaphore_mem>>
      %dma_start3A_174 = arith.constant 0 : i32
      %dma_start3A_175 = tpu.memref_slice %arg3[%mul3A_2, %dma_start3A_174] : memref<8192x100xi32, #tpu.memory_space<hbm>> -> memref<256x100xi32, #tpu.memory_space<hbm>>
      %dma_start3A_176 = arith.constant 0 : i32
      %dma_start3A_177 = tpu.memref_slice %arg3[%mul3A_2, %dma_start3A_176] : memref<8192x100xi32, #tpu.memory_space<hbm>> -> memref<256x100xi32, #tpu.memory_space<hbm>>
      tpu.enqueue_dma source(%dma_start3A_177 : memref<256x100xi32, #tpu.memory_space<hbm>>) target(%arg5 : memref<256x100xi32, #tpu.memory_space<vmem>>) target_semaphore(%run_scoped3A : memref<!tpu.dma_semaphore, #tpu.memory_space<semaphore_mem>>)
      %dma_wait3A_178 = arith.constant 0 : i32
      %dma_wait3A_179 = tpu.memref_slice %arg3[%mul3A_2, %dma_wait3A_178] : memref<8192x100xi32, #tpu.memory_space<hbm>> -> memref<256x100xi32, #tpu.memory_space<hbm>>
      %dma_wait3A_180 = arith.constant 0 : i32
      %dma_wait3A_181 = tpu.memref_slice %arg3[%mul3A_2, %dma_wait3A_180] : memref<8192x100xi32, #tpu.memory_space<hbm>> -> memref<256x100xi32, #tpu.memory_space<hbm>>
      tpu.wait_dma2 semaphore(%run_scoped3A : memref<!tpu.dma_semaphore, #tpu.memory_space<semaphore_mem>>) src(%dma_wait3A_181 : memref<256x100xi32, #tpu.memory_space<hbm>>) dst(%arg5 : memref<256x100xi32, #tpu.memory_space<vmem>>)
      tpu.yield
    }) : () -> ()
    %dma_start3A = arith.constant 0 : i32
    %dma_start3A_3 = arith.constant 0 : i32
    %dma_start3A_4 = arith.constant 0 : i32
    %dma_start3A_5 = arith.constant 0 : i32
    %dma_start3A_6 = tpu.memref_slice %arg6[%dma_start3A_3, %dma_start3A_4, %dma_start3A_5] : memref<2x200x64xf32, #tpu.memory_space<vmem>> -> memref<1x100x64xf32, #tpu.memory_space<vmem>>
    %dma_start3A_7 = tpu.memref_squeeze %dma_start3A_6 : memref<1x100x64xf32, #tpu.memory_space<vmem>> -> memref<100x64xf32, #tpu.memory_space<vmem>>
    %dma_start3A_8 = arith.constant 0 : i32
    %dma_start3A_9 = tpu.memref_slice %arg5[%dma_start3A, %dma_start3A_8] : memref<256x100xi32, #tpu.memory_space<vmem>> -> memref<1x100xi32, #tpu.memory_space<vmem>>
    %dma_start3A_10 = tpu.memref_squeeze %dma_start3A_9 : memref<1x100xi32, #tpu.memory_space<vmem>> -> memref<100xi32, #tpu.memory_space<vmem>>
    %dma_start3A_11 = arith.constant 0 : i32
    %dma_start3A_12 = arith.constant 0 : i32
    %dma_start3A_13 = tpu.memref_slice %arg2[%dma_start3A_11, %dma_start3A_12] : memref<1000000x64xf32, #tpu.memory_space<hbm>> -> memref<1000000x64xf32, #tpu.memory_space<hbm>>
    tpu.enqueue_indirect_dma source(%dma_start3A_13 : memref<1000000x64xf32, #tpu.memory_space<hbm>>) target(%dma_start3A_7 : memref<100x64xf32, #tpu.memory_space<vmem>>) offsets(%dma_start3A_10 : memref<100xi32, #tpu.memory_space<vmem>>) semaphore(%arg8 : memref<!tpu.dma_semaphore, #tpu.memory_space<semaphore_mem>>)
    %dma_start3A_14 = arith.constant 1 : i32
    %dma_start3A_15 = arith.constant 0 : i32
    %dma_start3A_16 = arith.constant 100 : i32
    %dma_start3A_17 = arith.constant 0 : i32
    %dma_start3A_18 = tpu.memref_slice %arg6[%dma_start3A_15, %dma_start3A_16, %dma_start3A_17] : memref<2x200x64xf32, #tpu.memory_space<vmem>> -> memref<1x100x64xf32, #tpu.memory_space<vmem>>
    %dma_start3A_19 = tpu.memref_squeeze %dma_start3A_18 : memref<1x100x64xf32, #tpu.memory_space<vmem>> -> memref<100x64xf32, #tpu.memory_space<vmem>>
    %dma_start3A_20 = arith.constant 0 : i32
    %dma_start3A_21 = tpu.memref_slice %arg5[%dma_start3A_14, %dma_start3A_20] : memref<256x100xi32, #tpu.memory_space<vmem>> -> memref<1x100xi32, #tpu.memory_space<vmem>>
    %dma_start3A_22 = tpu.memref_squeeze %dma_start3A_21 : memref<1x100xi32, #tpu.memory_space<vmem>> -> memref<100xi32, #tpu.memory_space<vmem>>
    %dma_start3A_23 = arith.constant 0 : i32
    %dma_start3A_24 = arith.constant 0 : i32
    %dma_start3A_25 = tpu.memref_slice %arg2[%dma_start3A_23, %dma_start3A_24] : memref<1000000x64xf32, #tpu.memory_space<hbm>> -> memref<1000000x64xf32, #tpu.memory_space<hbm>>
    tpu.enqueue_indirect_dma source(%dma_start3A_25 : memref<1000000x64xf32, #tpu.memory_space<hbm>>) target(%dma_start3A_19 : memref<100x64xf32, #tpu.memory_space<vmem>>) offsets(%dma_start3A_22 : memref<100xi32, #tpu.memory_space<vmem>>) semaphore(%arg8 : memref<!tpu.dma_semaphore, #tpu.memory_space<semaphore_mem>>)
    %dma_start3A_26 = arith.constant 2 : i32
    %dma_start3A_27 = arith.constant 1 : i32
    %dma_start3A_28 = arith.constant 0 : i32
    %dma_start3A_29 = arith.constant 0 : i32
    %dma_start3A_30 = tpu.memref_slice %arg6[%dma_start3A_27, %dma_start3A_28, %dma_start3A_29] : memref<2x200x64xf32, #tpu.memory_space<vmem>> -> memref<1x100x64xf32, #tpu.memory_space<vmem>>
    %dma_start3A_31 = tpu.memref_squeeze %dma_start3A_30 : memref<1x100x64xf32, #tpu.memory_space<vmem>> -> memref<100x64xf32, #tpu.memory_space<vmem>>
    %dma_start3A_32 = arith.constant 0 : i32
    %dma_start3A_33 = tpu.memref_slice %arg5[%dma_start3A_26, %dma_start3A_32] : memref<256x100xi32, #tpu.memory_space<vmem>> -> memref<1x100xi32, #tpu.memory_space<vmem>>
    %dma_start3A_34 = tpu.memref_squeeze %dma_start3A_33 : memref<1x100xi32, #tpu.memory_space<vmem>> -> memref<100xi32, #tpu.memory_space<vmem>>
    %dma_start3A_35 = arith.constant 0 : i32
    %dma_start3A_36 = arith.constant 0 : i32
    %dma_start3A_37 = tpu.memref_slice %arg2[%dma_start3A_35, %dma_start3A_36] : memref<1000000x64xf32, #tpu.memory_space<hbm>> -> memref<1000000x64xf32, #tpu.memory_space<hbm>>
    tpu.enqueue_indirect_dma source(%dma_start3A_37 : memref<1000000x64xf32, #tpu.memory_space<hbm>>) target(%dma_start3A_31 : memref<100x64xf32, #tpu.memory_space<vmem>>) offsets(%dma_start3A_34 : memref<100xi32, #tpu.memory_space<vmem>>) semaphore(%arg9 : memref<!tpu.dma_semaphore, #tpu.memory_space<semaphore_mem>>)
    %dma_start3A_38 = arith.constant 3 : i32
    %dma_start3A_39 = arith.constant 1 : i32
    %dma_start3A_40 = arith.constant 100 : i32
    %dma_start3A_41 = arith.constant 0 : i32
    %dma_start3A_42 = tpu.memref_slice %arg6[%dma_start3A_39, %dma_start3A_40, %dma_start3A_41] : memref<2x200x64xf32, #tpu.memory_space<vmem>> -> memref<1x100x64xf32, #tpu.memory_space<vmem>>
    %dma_start3A_43 = tpu.memref_squeeze %dma_start3A_42 : memref<1x100x64xf32, #tpu.memory_space<vmem>> -> memref<100x64xf32, #tpu.memory_space<vmem>>
    %dma_start3A_44 = arith.constant 0 : i32
    %dma_start3A_45 = tpu.memref_slice %arg5[%dma_start3A_38, %dma_start3A_44] : memref<256x100xi32, #tpu.memory_space<vmem>> -> memref<1x100xi32, #tpu.memory_space<vmem>>
    %dma_start3A_46 = tpu.memref_squeeze %dma_start3A_45 : memref<1x100xi32, #tpu.memory_space<vmem>> -> memref<100xi32, #tpu.memory_space<vmem>>
    %dma_start3A_47 = arith.constant 0 : i32
    %dma_start3A_48 = arith.constant 0 : i32
    %dma_start3A_49 = tpu.memref_slice %arg2[%dma_start3A_47, %dma_start3A_48] : memref<1000000x64xf32, #tpu.memory_space<hbm>> -> memref<1000000x64xf32, #tpu.memory_space<hbm>>
    tpu.enqueue_indirect_dma source(%dma_start3A_49 : memref<1000000x64xf32, #tpu.memory_space<hbm>>) target(%dma_start3A_43 : memref<100x64xf32, #tpu.memory_space<vmem>>) offsets(%dma_start3A_46 : memref<100xi32, #tpu.memory_space<vmem>>) semaphore(%arg9 : memref<!tpu.dma_semaphore, #tpu.memory_space<semaphore_mem>>)
    %scan3A = arith.constant 0 : i32
    %scan3A_50 = arith.constant 0 : i32
    %scan3A_51 = arith.constant 63 : i32
    %scan3A_52 = arith.addi %scan3A_50, %scan3A_51 : i32
    %scan3A_53 = arith.constant 1 : i32
    scf.for %scan3A_174 = %scan3A_50 to %scan3A_52 step %scan3A_53  : i32 {
      %mul3A_175 = arith.constant 2 : i32
      %mul3A_176 = arith.muli %mul3A_175, %scan3A_174 : i32
      %mul3A_177 = arith.constant 2 : i32
      %mul3A_178 = arith.muli %mul3A_177, %mul3A_176 : i32
      %mul3A_179 = arith.constant 2 : i32
      %mul3A_180 = arith.muli %mul3A_179, %mul3A_176 : i32
      %add3A_181 = arith.constant 1 : i32
      %add3A_182 = arith.addi %mul3A_180, %add3A_181 : i32
      %dma_wait3A_183 = arith.constant 0 : i32
      %dma_wait3A_184 = arith.constant 0 : i32
      %dma_wait3A_185 = arith.constant 0 : i32
      %dma_wait3A_186 = tpu.memref_slice %arg6[%dma_wait3A_183, %dma_wait3A_184, %dma_wait3A_185] : memref<2x200x64xf32, #tpu.memory_space<vmem>> -> memref<1x100x64xf32, #tpu.memory_space<vmem>>
      %dma_wait3A_187 = tpu.memref_squeeze %dma_wait3A_186 : memref<1x100x64xf32, #tpu.memory_space<vmem>> -> memref<100x64xf32, #tpu.memory_space<vmem>>
      %dma_wait3A_188 = arith.constant 0 : i32
      %dma_wait3A_189 = tpu.memref_slice %arg5[%mul3A_178, %dma_wait3A_188] : memref<256x100xi32, #tpu.memory_space<vmem>> -> memref<1x100xi32, #tpu.memory_space<vmem>>
      %dma_wait3A_190 = tpu.memref_squeeze %dma_wait3A_189 : memref<1x100xi32, #tpu.memory_space<vmem>> -> memref<100xi32, #tpu.memory_space<vmem>>
      %dma_wait3A_191 = arith.constant 0 : i32
      %dma_wait3A_192 = arith.constant 0 : i32
      %dma_wait3A_193 = tpu.memref_slice %arg2[%dma_wait3A_191, %dma_wait3A_192] : memref<1000000x64xf32, #tpu.memory_space<hbm>> -> memref<1000000x64xf32, #tpu.memory_space<hbm>>
      tpu.wait_indirect_dma semaphore(%arg8 : memref<!tpu.dma_semaphore, #tpu.memory_space<semaphore_mem>>) src(%dma_wait3A_193 : memref<1000000x64xf32, #tpu.memory_space<hbm>>) dst(%dma_wait3A_187 : memref<100x64xf32, #tpu.memory_space<vmem>>)
      %dma_wait3A_194 = arith.constant 0 : i32
      %dma_wait3A_195 = arith.constant 100 : i32
      %dma_wait3A_196 = arith.constant 0 : i32
      %dma_wait3A_197 = tpu.memref_slice %arg6[%dma_wait3A_194, %dma_wait3A_195, %dma_wait3A_196] : memref<2x200x64xf32, #tpu.memory_space<vmem>> -> memref<1x100x64xf32, #tpu.memory_space<vmem>>
      %dma_wait3A_198 = tpu.memref_squeeze %dma_wait3A_197 : memref<1x100x64xf32, #tpu.memory_space<vmem>> -> memref<100x64xf32, #tpu.memory_space<vmem>>
      %dma_wait3A_199 = arith.constant 0 : i32
      %dma_wait3A_200 = tpu.memref_slice %arg5[%add3A_182, %dma_wait3A_199] : memref<256x100xi32, #tpu.memory_space<vmem>> -> memref<1x100xi32, #tpu.memory_space<vmem>>
      %dma_wait3A_201 = tpu.memref_squeeze %dma_wait3A_200 : memref<1x100xi32, #tpu.memory_space<vmem>> -> memref<100xi32, #tpu.memory_space<vmem>>
      %dma_wait3A_202 = arith.constant 0 : i32
      %dma_wait3A_203 = arith.constant 0 : i32
      %dma_wait3A_204 = tpu.memref_slice %arg2[%dma_wait3A_202, %dma_wait3A_203] : memref<1000000x64xf32, #tpu.memory_space<hbm>> -> memref<1000000x64xf32, #tpu.memory_space<hbm>>
      tpu.wait_indirect_dma semaphore(%arg8 : memref<!tpu.dma_semaphore, #tpu.memory_space<semaphore_mem>>) src(%dma_wait3A_204 : memref<1000000x64xf32, #tpu.memory_space<hbm>>) dst(%dma_wait3A_198 : memref<100x64xf32, #tpu.memory_space<vmem>>)
      %broadcast_in_dim3A_205 = arith.constant 0.000000e+00 : f32
      %broadcast_in_dim3A_206 = vector.broadcast %broadcast_in_dim3A_205 : f32 to vector<16xf32>
      %scan3A_207 = arith.constant 0 : i32
      %scan3A_208 = arith.constant 50 : i32
      %scan3A_209 = arith.addi %scan3A_207, %scan3A_208 : i32
      %scan3A_210 = arith.constant 1 : i32
      %scan3A_211:8 = scf.for %scan3A_361 = %scan3A_207 to %scan3A_209 step %scan3A_210 iter_args(%scan3A_362 = %broadcast_in_dim3A_206, %scan3A_363 = %broadcast_in_dim3A_206, %scan3A_364 = %broadcast_in_dim3A_206, %scan3A_365 = %broadcast_in_dim3A_206, %scan3A_366 = %broadcast_in_dim3A_206, %scan3A_367 = %broadcast_in_dim3A_206, %scan3A_368 = %broadcast_in_dim3A_206, %scan3A_369 = %broadcast_in_dim3A_206) -> (vector<16xf32>, vector<16xf32>, vector<16xf32>, vector<16xf32>, vector<16xf32>, vector<16xf32>, vector<16xf32>, vector<16xf32>)  : i32 {
        %mul3A_370 = arith.constant 4 : i32
        %mul3A_371 = arith.muli %mul3A_370, %scan3A_361 : i32
        %add3A_372 = arith.constant 0 : i32
        %add3A_373 = arith.addi %mul3A_371, %add3A_372 : i32
        %get3A = arith.constant 0 : i32
        %get3A_374 = arith.index_cast %get3A : i32 to index
        %get3A_375 = arith.index_cast %add3A_373 : i32 to index
        %get3A_376 = arith.constant 0 : index
        %get3A_377 = tpu.vector_load %arg6[%get3A_374, %get3A_375, %get3A_376] {strides = array<i32>} : memref<2x200x64xf32, #tpu.memory_space<vmem>>, vector<1x1x16xf32>,
        %get3A_378 = vector.shape_cast %get3A_377 : vector<1x1x16xf32> to vector<16xf32>
        %add3A_379 = arith.addf %scan3A_362, %get3A_378 : vector<16xf32>
        %mul3A_380 = arith.constant 4 : i32
        %mul3A_381 = arith.muli %mul3A_380, %scan3A_361 : i32
        %add3A_382 = arith.constant 0 : i32
        %add3A_383 = arith.addi %mul3A_381, %add3A_382 : i32
        %get3A_384 = arith.constant 0 : i32
        %get3A_385 = arith.index_cast %get3A_384 : i32 to index
        %get3A_386 = arith.index_cast %add3A_383 : i32 to index
        %get3A_387 = arith.constant 16 : index
        %get3A_388 = tpu.vector_load %arg6[%get3A_385, %get3A_386, %get3A_387] {strides = array<i32>} : memref<2x200x64xf32, #tpu.memory_space<vmem>>, vector<1x1x16xf32>,
        %get3A_389 = vector.shape_cast %get3A_388 : vector<1x1x16xf32> to vector<16xf32>
        %add3A_390 = arith.addf %scan3A_363, %get3A_389 : vector<16xf32>
        %mul3A_391 = arith.constant 4 : i32
        %mul3A_392 = arith.muli %mul3A_391, %scan3A_361 : i32
        %add3A_393 = arith.constant 0 : i32
        %add3A_394 = arith.addi %mul3A_392, %add3A_393 : i32
        %get3A_395 = arith.constant 0 : i32
        %get3A_396 = arith.index_cast %get3A_395 : i32 to index
        %get3A_397 = arith.index_cast %add3A_394 : i32 to index
        %get3A_398 = arith.constant 32 : index
        %get3A_399 = tpu.vector_load %arg6[%get3A_396, %get3A_397, %get3A_398] {strides = array<i32>} : memref<2x200x64xf32, #tpu.memory_space<vmem>>, vector<1x1x16xf32>,
        %get3A_400 = vector.shape_cast %get3A_399 : vector<1x1x16xf32> to vector<16xf32>
        %add3A_401 = arith.addf %scan3A_364, %get3A_400 : vector<16xf32>
        %mul3A_402 = arith.constant 4 : i32
        %mul3A_403 = arith.muli %mul3A_402, %scan3A_361 : i32
        %add3A_404 = arith.constant 0 : i32
        %add3A_405 = arith.addi %mul3A_403, %add3A_404 : i32
        %get3A_406 = arith.constant 0 : i32
        %get3A_407 = arith.index_cast %get3A_406 : i32 to index
        %get3A_408 = arith.index_cast %add3A_405 : i32 to index
        %get3A_409 = arith.constant 48 : index
        %get3A_410 = tpu.vector_load %arg6[%get3A_407, %get3A_408, %get3A_409] {strides = array<i32>} : memref<2x200x64xf32, #tpu.memory_space<vmem>>, vector<1x1x16xf32>,
        %get3A_411 = vector.shape_cast %get3A_410 : vector<1x1x16xf32> to vector<16xf32>
        %add3A_412 = arith.addf %scan3A_365, %get3A_411 : vector<16xf32>
        %mul3A_413 = arith.constant 4 : i32
        %mul3A_414 = arith.muli %mul3A_413, %scan3A_361 : i32
        %add3A_415 = arith.constant 1 : i32
        %add3A_416 = arith.addi %mul3A_414, %add3A_415 : i32
        %get3A_417 = arith.constant 0 : i32
        %get3A_418 = arith.index_cast %get3A_417 : i32 to index
        %get3A_419 = arith.index_cast %add3A_416 : i32 to index
        %get3A_420 = arith.constant 0 : index
        %get3A_421 = tpu.vector_load %arg6[%get3A_418, %get3A_419, %get3A_420] {strides = array<i32>} : memref<2x200x64xf32, #tpu.memory_space<vmem>>, vector<1x1x16xf32>,
        %get3A_422 = vector.shape_cast %get3A_421 : vector<1x1x16xf32> to vector<16xf32>
        %add3A_423 = arith.addf %scan3A_366, %get3A_422 : vector<16xf32>
        %mul3A_424 = arith.constant 4 : i32
        %mul3A_425 = arith.muli %mul3A_424, %scan3A_361 : i32
        %add3A_426 = arith.constant 1 : i32
        %add3A_427 = arith.addi %mul3A_425, %add3A_426 : i32
        %get3A_428 = arith.constant 0 : i32
        %get3A_429 = arith.index_cast %get3A_428 : i32 to index
        %get3A_430 = arith.index_cast %add3A_427 : i32 to index
        %get3A_431 = arith.constant 16 : index
        %get3A_432 = tpu.vector_load %arg6[%get3A_429, %get3A_430, %get3A_431] {strides = array<i32>} : memref<2x200x64xf32, #tpu.memory_space<vmem>>, vector<1x1x16xf32>,
        %get3A_433 = vector.shape_cast %get3A_432 : vector<1x1x16xf32> to vector<16xf32>
        %add3A_434 = arith.addf %scan3A_367, %get3A_433 : vector<16xf32>
        %mul3A_435 = arith.constant 4 : i32
        %mul3A_436 = arith.muli %mul3A_435, %scan3A_361 : i32
        %add3A_437 = arith.constant 1 : i32
        %add3A_438 = arith.addi %mul3A_436, %add3A_437 : i32
        %get3A_439 = arith.constant 0 : i32
        %get3A_440 = arith.index_cast %get3A_439 : i32 to index
        %get3A_441 = arith.index_cast %add3A_438 : i32 to index
        %get3A_442 = arith.constant 32 : index
        %get3A_443 = tpu.vector_load %arg6[%get3A_440, %get3A_441, %get3A_442] {strides = array<i32>} : memref<2x200x64xf32, #tpu.memory_space<vmem>>, vector<1x1x16xf32>,
        %get3A_444 = vector.shape_cast %get3A_443 : vector<1x1x16xf32> to vector<16xf32>
        %add3A_445 = arith.addf %scan3A_368, %get3A_444 : vector<16xf32>
        %mul3A_446 = arith.constant 4 : i32
        %mul3A_447 = arith.muli %mul3A_446, %scan3A_361 : i32
        %add3A_448 = arith.constant 1 : i32
        %add3A_449 = arith.addi %mul3A_447, %add3A_448 : i32
        %get3A_450 = arith.constant 0 : i32
        %get3A_451 = arith.index_cast %get3A_450 : i32 to index
        %get3A_452 = arith.index_cast %add3A_449 : i32 to index
        %get3A_453 = arith.constant 48 : index
        %get3A_454 = tpu.vector_load %arg6[%get3A_451, %get3A_452, %get3A_453] {strides = array<i32>} : memref<2x200x64xf32, #tpu.memory_space<vmem>>, vector<1x1x16xf32>,
        %get3A_455 = vector.shape_cast %get3A_454 : vector<1x1x16xf32> to vector<16xf32>
        %add3A_456 = arith.addf %scan3A_369, %get3A_455 : vector<16xf32>
        %mul3A_457 = arith.constant 4 : i32
        %mul3A_458 = arith.muli %mul3A_457, %scan3A_361 : i32
        %add3A_459 = arith.constant 2 : i32
        %add3A_460 = arith.addi %mul3A_458, %add3A_459 : i32
        %get3A_461 = arith.constant 0 : i32
        %get3A_462 = arith.index_cast %get3A_461 : i32 to index
        %get3A_463 = arith.index_cast %add3A_460 : i32 to index
        %get3A_464 = arith.constant 0 : index
        %get3A_465 = tpu.vector_load %arg6[%get3A_462, %get3A_463, %get3A_464] {strides = array<i32>} : memref<2x200x64xf32, #tpu.memory_space<vmem>>, vector<1x1x16xf32>,
        %get3A_466 = vector.shape_cast %get3A_465 : vector<1x1x16xf32> to vector<16xf32>
        %add3A_467 = arith.addf %add3A_379, %get3A_466 : vector<16xf32>
        %mul3A_468 = arith.constant 4 : i32
        %mul3A_469 = arith.muli %mul3A_468, %scan3A_361 : i32
        %add3A_470 = arith.constant 2 : i32
        %add3A_471 = arith.addi %mul3A_469, %add3A_470 : i32
        %get3A_472 = arith.constant 0 : i32
        %get3A_473 = arith.index_cast %get3A_472 : i32 to index
        %get3A_474 = arith.index_cast %add3A_471 : i32 to index
        %get3A_475 = arith.constant 16 : index
        %get3A_476 = tpu.vector_load %arg6[%get3A_473, %get3A_474, %get3A_475] {strides = array<i32>} : memref<2x200x64xf32, #tpu.memory_space<vmem>>, vector<1x1x16xf32>,
        %get3A_477 = vector.shape_cast %get3A_476 : vector<1x1x16xf32> to vector<16xf32>
        %add3A_478 = arith.addf %add3A_390, %get3A_477 : vector<16xf32>
        %mul3A_479 = arith.constant 4 : i32
        %mul3A_480 = arith.muli %mul3A_479, %scan3A_361 : i32
        %add3A_481 = arith.constant 2 : i32
        %add3A_482 = arith.addi %mul3A_480, %add3A_481 : i32
        %get3A_483 = arith.constant 0 : i32
        %get3A_484 = arith.index_cast %get3A_483 : i32 to index
        %get3A_485 = arith.index_cast %add3A_482 : i32 to index
        %get3A_486 = arith.constant 32 : index
        %get3A_487 = tpu.vector_load %arg6[%get3A_484, %get3A_485, %get3A_486] {strides = array<i32>} : memref<2x200x64xf32, #tpu.memory_space<vmem>>, vector<1x1x16xf32>,
        %get3A_488 = vector.shape_cast %get3A_487 : vector<1x1x16xf32> to vector<16xf32>
        %add3A_489 = arith.addf %add3A_401, %get3A_488 : vector<16xf32>
        %mul3A_490 = arith.constant 4 : i32
        %mul3A_491 = arith.muli %mul3A_490, %scan3A_361 : i32
        %add3A_492 = arith.constant 2 : i32
        %add3A_493 = arith.addi %mul3A_491, %add3A_492 : i32
        %get3A_494 = arith.constant 0 : i32
        %get3A_495 = arith.index_cast %get3A_494 : i32 to index
        %get3A_496 = arith.index_cast %add3A_493 : i32 to index
        %get3A_497 = arith.constant 48 : index
        %get3A_498 = tpu.vector_load %arg6[%get3A_495, %get3A_496, %get3A_497] {strides = array<i32>} : memref<2x200x64xf32, #tpu.memory_space<vmem>>, vector<1x1x16xf32>,
        %get3A_499 = vector.shape_cast %get3A_498 : vector<1x1x16xf32> to vector<16xf32>
        %add3A_500 = arith.addf %add3A_412, %get3A_499 : vector<16xf32>
        %mul3A_501 = arith.constant 4 : i32
        %mul3A_502 = arith.muli %mul3A_501, %scan3A_361 : i32
        %add3A_503 = arith.constant 3 : i32
        %add3A_504 = arith.addi %mul3A_502, %add3A_503 : i32
        %get3A_505 = arith.constant 0 : i32
        %get3A_506 = arith.index_cast %get3A_505 : i32 to index
        %get3A_507 = arith.index_cast %add3A_504 : i32 to index
        %get3A_508 = arith.constant 0 : index
        %get3A_509 = tpu.vector_load %arg6[%get3A_506, %get3A_507, %get3A_508] {strides = array<i32>} : memref<2x200x64xf32, #tpu.memory_space<vmem>>, vector<1x1x16xf32>,
        %get3A_510 = vector.shape_cast %get3A_509 : vector<1x1x16xf32> to vector<16xf32>
        %add3A_511 = arith.addf %add3A_423, %get3A_510 : vector<16xf32>
        %mul3A_512 = arith.constant 4 : i32
        %mul3A_513 = arith.muli %mul3A_512, %scan3A_361 : i32
        %add3A_514 = arith.constant 3 : i32
        %add3A_515 = arith.addi %mul3A_513, %add3A_514 : i32
        %get3A_516 = arith.constant 0 : i32
        %get3A_517 = arith.index_cast %get3A_516 : i32 to index
        %get3A_518 = arith.index_cast %add3A_515 : i32 to index
        %get3A_519 = arith.constant 16 : index
        %get3A_520 = tpu.vector_load %arg6[%get3A_517, %get3A_518, %get3A_519] {strides = array<i32>} : memref<2x200x64xf32, #tpu.memory_space<vmem>>, vector<1x1x16xf32>,
        %get3A_521 = vector.shape_cast %get3A_520 : vector<1x1x16xf32> to vector<16xf32>
        %add3A_522 = arith.addf %add3A_434, %get3A_521 : vector<16xf32>
        %mul3A_523 = arith.constant 4 : i32
        %mul3A_524 = arith.muli %mul3A_523, %scan3A_361 : i32
        %add3A_525 = arith.constant 3 : i32
        %add3A_526 = arith.addi %mul3A_524, %add3A_525 : i32
        %get3A_527 = arith.constant 0 : i32
        %get3A_528 = arith.index_cast %get3A_527 : i32 to index
        %get3A_529 = arith.index_cast %add3A_526 : i32 to index
        %get3A_530 = arith.constant 32 : index
        %get3A_531 = tpu.vector_load %arg6[%get3A_528, %get3A_529, %get3A_530] {strides = array<i32>} : memref<2x200x64xf32, #tpu.memory_space<vmem>>, vector<1x1x16xf32>,
        %get3A_532 = vector.shape_cast %get3A_531 : vector<1x1x16xf32> to vector<16xf32>
        %add3A_533 = arith.addf %add3A_445, %get3A_532 : vector<16xf32>
        %mul3A_534 = arith.constant 4 : i32
        %mul3A_535 = arith.muli %mul3A_534, %scan3A_361 : i32
        %add3A_536 = arith.constant 3 : i32
        %add3A_537 = arith.addi %mul3A_535, %add3A_536 : i32
        %get3A_538 = arith.constant 0 : i32
        %get3A_539 = arith.index_cast %get3A_538 : i32 to index
        %get3A_540 = arith.index_cast %add3A_537 : i32 to index
        %get3A_541 = arith.constant 48 : index
        %get3A_542 = tpu.vector_load %arg6[%get3A_539, %get3A_540, %get3A_541] {strides = array<i32>} : memref<2x200x64xf32, #tpu.memory_space<vmem>>, vector<1x1x16xf32>,
        %get3A_543 = vector.shape_cast %get3A_542 : vector<1x1x16xf32> to vector<16xf32>
        %add3A_544 = arith.addf %add3A_456, %get3A_543 : vector<16xf32>
        scf.yield %add3A_467, %add3A_478, %add3A_489, %add3A_500, %add3A_511, %add3A_522, %add3A_533, %add3A_544 : vector<16xf32>, vector<16xf32>, vector<16xf32>, vector<16xf32>, vector<16xf32>, vector<16xf32>, vector<16xf32>, vector<16xf32>
      }
      %scan3A_212 = arith.constant 50 : i32
      %add3A_213 = arith.addf %scan3A_211#0, %scan3A_211#4 : vector<16xf32>
      %swap3A_214 = arith.index_cast %mul3A_176 : i32 to index
      %swap3A_215 = arith.constant 0 : index
      %swap3A_216 = tpu.vector_load %arg7[%swap3A_214, %swap3A_215] {strides = array<i32>} : memref<128x64xf32, #tpu.memory_space<vmem>>, vector<1x16xf32>,
      %swap3A_217 = vector.shape_cast %swap3A_216 : vector<1x16xf32> to vector<16xf32>
      %swap3A_218 = vector.shape_cast %add3A_213 : vector<16xf32> to vector<1x16xf32>
      tpu.vector_store %arg7[%swap3A_214, %swap3A_215], %swap3A_218 {strides = array<i32>} : memref<128x64xf32, #tpu.memory_space<vmem>>, vector<1x16xf32>,
      %add3A_219 = arith.addf %scan3A_211#1, %scan3A_211#5 : vector<16xf32>
      %swap3A_220 = arith.index_cast %mul3A_176 : i32 to index
      %swap3A_221 = arith.constant 16 : index
      %swap3A_222 = tpu.vector_load %arg7[%swap3A_220, %swap3A_221] {strides = array<i32>} : memref<128x64xf32, #tpu.memory_space<vmem>>, vector<1x16xf32>,
      %swap3A_223 = vector.shape_cast %swap3A_222 : vector<1x16xf32> to vector<16xf32>
      %swap3A_224 = vector.shape_cast %add3A_219 : vector<16xf32> to vector<1x16xf32>
      tpu.vector_store %arg7[%swap3A_220, %swap3A_221], %swap3A_224 {strides = array<i32>} : memref<128x64xf32, #tpu.memory_space<vmem>>, vector<1x16xf32>,
      %add3A_225 = arith.addf %scan3A_211#2, %scan3A_211#6 : vector<16xf32>
      %swap3A_226 = arith.index_cast %mul3A_176 : i32 to index
      %swap3A_227 = arith.constant 32 : index
      %swap3A_228 = tpu.vector_load %arg7[%swap3A_226, %swap3A_227] {strides = array<i32>} : memref<128x64xf32, #tpu.memory_space<vmem>>, vector<1x16xf32>,
      %swap3A_229 = vector.shape_cast %swap3A_228 : vector<1x16xf32> to vector<16xf32>
      %swap3A_230 = vector.shape_cast %add3A_225 : vector<16xf32> to vector<1x16xf32>
      tpu.vector_store %arg7[%swap3A_226, %swap3A_227], %swap3A_230 {strides = array<i32>} : memref<128x64xf32, #tpu.memory_space<vmem>>, vector<1x16xf32>,
      %add3A_231 = arith.addf %scan3A_211#3, %scan3A_211#7 : vector<16xf32>
      %swap3A_232 = arith.index_cast %mul3A_176 : i32 to index
      %swap3A_233 = arith.constant 48 : index
      %swap3A_234 = tpu.vector_load %arg7[%swap3A_232, %swap3A_233] {strides = array<i32>} : memref<128x64xf32, #tpu.memory_space<vmem>>, vector<1x16xf32>,
      %swap3A_235 = vector.shape_cast %swap3A_234 : vector<1x16xf32> to vector<16xf32>
      %swap3A_236 = vector.shape_cast %add3A_231 : vector<16xf32> to vector<1x16xf32>
      tpu.vector_store %arg7[%swap3A_232, %swap3A_233], %swap3A_236 {strides = array<i32>} : memref<128x64xf32, #tpu.memory_space<vmem>>, vector<1x16xf32>,
      %add3A_237 = arith.constant 2 : i32
      %add3A_238 = arith.addi %mul3A_176, %add3A_237 : i32
      %mul3A_239 = arith.constant 2 : i32
      %mul3A_240 = arith.muli %mul3A_239, %add3A_238 : i32
      %mul3A_241 = arith.constant 2 : i32
      %mul3A_242 = arith.muli %mul3A_241, %add3A_238 : i32
      %add3A_243 = arith.constant 1 : i32
      %add3A_244 = arith.addi %mul3A_242, %add3A_243 : i32
      %dma_start3A_245 = arith.constant 0 : i32
      %dma_start3A_246 = arith.constant 0 : i32
      %dma_start3A_247 = arith.constant 0 : i32
      %dma_start3A_248 = tpu.memref_slice %arg6[%dma_start3A_245, %dma_start3A_246, %dma_start3A_247] : memref<2x200x64xf32, #tpu.memory_space<vmem>> -> memref<1x100x64xf32, #tpu.memory_space<vmem>>
      %dma_start3A_249 = tpu.memref_squeeze %dma_start3A_248 : memref<1x100x64xf32, #tpu.memory_space<vmem>> -> memref<100x64xf32, #tpu.memory_space<vmem>>
      %dma_start3A_250 = arith.constant 0 : i32
      %dma_start3A_251 = tpu.memref_slice %arg5[%mul3A_240, %dma_start3A_250] : memref<256x100xi32, #tpu.memory_space<vmem>> -> memref<1x100xi32, #tpu.memory_space<vmem>>
      %dma_start3A_252 = tpu.memref_squeeze %dma_start3A_251 : memref<1x100xi32, #tpu.memory_space<vmem>> -> memref<100xi32, #tpu.memory_space<vmem>>
      %dma_start3A_253 = arith.constant 0 : i32
      %dma_start3A_254 = arith.constant 0 : i32
      %dma_start3A_255 = tpu.memref_slice %arg2[%dma_start3A_253, %dma_start3A_254] : memref<1000000x64xf32, #tpu.memory_space<hbm>> -> memref<1000000x64xf32, #tpu.memory_space<hbm>>
      tpu.enqueue_indirect_dma source(%dma_start3A_255 : memref<1000000x64xf32, #tpu.memory_space<hbm>>) target(%dma_start3A_249 : memref<100x64xf32, #tpu.memory_space<vmem>>) offsets(%dma_start3A_252 : memref<100xi32, #tpu.memory_space<vmem>>) semaphore(%arg8 : memref<!tpu.dma_semaphore, #tpu.memory_space<semaphore_mem>>)
      %dma_start3A_256 = arith.constant 0 : i32
      %dma_start3A_257 = arith.constant 100 : i32
      %dma_start3A_258 = arith.constant 0 : i32
      %dma_start3A_259 = tpu.memref_slice %arg6[%dma_start3A_256, %dma_start3A_257, %dma_start3A_258] : memref<2x200x64xf32, #tpu.memory_space<vmem>> -> memref<1x100x64xf32, #tpu.memory_space<vmem>>
      %dma_start3A_260 = tpu.memref_squeeze %dma_start3A_259 : memref<1x100x64xf32, #tpu.memory_space<vmem>> -> memref<100x64xf32, #tpu.memory_space<vmem>>
      %dma_start3A_261 = arith.constant 0 : i32
      %dma_start3A_262 = tpu.memref_slice %arg5[%add3A_244, %dma_start3A_261] : memref<256x100xi32, #tpu.memory_space<vmem>> -> memref<1x100xi32, #tpu.memory_space<vmem>>
      %dma_start3A_263 = tpu.memref_squeeze %dma_start3A_262 : memref<1x100xi32, #tpu.memory_space<vmem>> -> memref<100xi32, #tpu.memory_space<vmem>>
      %dma_start3A_264 = arith.constant 0 : i32
      %dma_start3A_265 = arith.constant 0 : i32
      %dma_start3A_266 = tpu.memref_slice %arg2[%dma_start3A_264, %dma_start3A_265] : memref<1000000x64xf32, #tpu.memory_space<hbm>> -> memref<1000000x64xf32, #tpu.memory_space<hbm>>
      tpu.enqueue_indirect_dma source(%dma_start3A_266 : memref<1000000x64xf32, #tpu.memory_space<hbm>>) target(%dma_start3A_260 : memref<100x64xf32, #tpu.memory_space<vmem>>) offsets(%dma_start3A_263 : memref<100xi32, #tpu.memory_space<vmem>>) semaphore(%arg8 : memref<!tpu.dma_semaphore, #tpu.memory_space<semaphore_mem>>)
      %add3A_267 = arith.constant 1 : i32
      %add3A_268 = arith.addi %mul3A_176, %add3A_267 : i32
      %mul3A_269 = arith.constant 2 : i32
      %mul3A_270 = arith.muli %mul3A_269, %add3A_268 : i32
      %mul3A_271 = arith.constant 2 : i32
      %mul3A_272 = arith.muli %mul3A_271, %add3A_268 : i32
      %add3A_273 = arith.constant 1 : i32
      %add3A_274 = arith.addi %mul3A_272, %add3A_273 : i32
      %dma_wait3A_275 = arith.constant 1 : i32
      %dma_wait3A_276 = arith.constant 0 : i32
      %dma_wait3A_277 = arith.constant 0 : i32
      %dma_wait3A_278 = tpu.memref_slice %arg6[%dma_wait3A_275, %dma_wait3A_276, %dma_wait3A_277] : memref<2x200x64xf32, #tpu.memory_space<vmem>> -> memref<1x100x64xf32, #tpu.memory_space<vmem>>
      %dma_wait3A_279 = tpu.memref_squeeze %dma_wait3A_278 : memref<1x100x64xf32, #tpu.memory_space<vmem>> -> memref<100x64xf32, #tpu.memory_space<vmem>>
      %dma_wait3A_280 = arith.constant 0 : i32
      %dma_wait3A_281 = tpu.memref_slice %arg5[%mul3A_270, %dma_wait3A_280] : memref<256x100xi32, #tpu.memory_space<vmem>> -> memref<1x100xi32, #tpu.memory_space<vmem>>
      %dma_wait3A_282 = tpu.memref_squeeze %dma_wait3A_281 : memref<1x100xi32, #tpu.memory_space<vmem>> -> memref<100xi32, #tpu.memory_space<vmem>>
      %dma_wait3A_283 = arith.constant 0 : i32
      %dma_wait3A_284 = arith.constant 0 : i32
      %dma_wait3A_285 = tpu.memref_slice %arg2[%dma_wait3A_283, %dma_wait3A_284] : memref<1000000x64xf32, #tpu.memory_space<hbm>> -> memref<1000000x64xf32, #tpu.memory_space<hbm>>
      tpu.wait_indirect_dma semaphore(%arg9 : memref<!tpu.dma_semaphore, #tpu.memory_space<semaphore_mem>>) src(%dma_wait3A_285 : memref<1000000x64xf32, #tpu.memory_space<hbm>>) dst(%dma_wait3A_279 : memref<100x64xf32, #tpu.memory_space<vmem>>)
      %dma_wait3A_286 = arith.constant 1 : i32
      %dma_wait3A_287 = arith.constant 100 : i32
      %dma_wait3A_288 = arith.constant 0 : i32
      %dma_wait3A_289 = tpu.memref_slice %arg6[%dma_wait3A_286, %dma_wait3A_287, %dma_wait3A_288] : memref<2x200x64xf32, #tpu.memory_space<vmem>> -> memref<1x100x64xf32, #tpu.memory_space<vmem>>
      %dma_wait3A_290 = tpu.memref_squeeze %dma_wait3A_289 : memref<1x100x64xf32, #tpu.memory_space<vmem>> -> memref<100x64xf32, #tpu.memory_space<vmem>>
      %dma_wait3A_291 = arith.constant 0 : i32
      %dma_wait3A_292 = tpu.memref_slice %arg5[%add3A_274, %dma_wait3A_291] : memref<256x100xi32, #tpu.memory_space<vmem>> -> memref<1x100xi32, #tpu.memory_space<vmem>>
      %dma_wait3A_293 = tpu.memref_squeeze %dma_wait3A_292 : memref<1x100xi32, #tpu.memory_space<vmem>> -> memref<100xi32, #tpu.memory_space<vmem>>
      %dma_wait3A_294 = arith.constant 0 : i32
      %dma_wait3A_295 = arith.constant 0 : i32
      %dma_wait3A_296 = tpu.memref_slice %arg2[%dma_wait3A_294, %dma_wait3A_295] : memref<1000000x64xf32, #tpu.memory_space<hbm>> -> memref<1000000x64xf32, #tpu.memory_space<hbm>>
      tpu.wait_indirect_dma semaphore(%arg9 : memref<!tpu.dma_semaphore, #tpu.memory_space<semaphore_mem>>) src(%dma_wait3A_296 : memref<1000000x64xf32, #tpu.memory_space<hbm>>) dst(%dma_wait3A_290 : memref<100x64xf32, #tpu.memory_space<vmem>>)
      %add3A_297 = arith.constant 1 : i32
      %add3A_298 = arith.addi %mul3A_176, %add3A_297 : i32
      %broadcast_in_dim3A_299 = arith.constant 0.000000e+00 : f32
      %broadcast_in_dim3A_300 = vector.broadcast %broadcast_in_dim3A_299 : f32 to vector<16xf32>
      %scan3A_301 = arith.constant 0 : i32
      %scan3A_302 = arith.constant 50 : i32
      %scan3A_303 = arith.addi %scan3A_301, %scan3A_302 : i32
      %scan3A_304 = arith.constant 1 : i32
      %scan3A_305:8 = scf.for %scan3A_361 = %scan3A_301 to %scan3A_303 step %scan3A_304 iter_args(%scan3A_362 = %broadcast_in_dim3A_300, %scan3A_363 = %broadcast_in_dim3A_300, %scan3A_364 = %broadcast_in_dim3A_300, %scan3A_365 = %broadcast_in_dim3A_300, %scan3A_366 = %broadcast_in_dim3A_300, %scan3A_367 = %broadcast_in_dim3A_300, %scan3A_368 = %broadcast_in_dim3A_300, %scan3A_369 = %broadcast_in_dim3A_300) -> (vector<16xf32>, vector<16xf32>, vector<16xf32>, vector<16xf32>, vector<16xf32>, vector<16xf32>, vector<16xf32>, vector<16xf32>)  : i32 {
        %mul3A_370 = arith.constant 4 : i32
        %mul3A_371 = arith.muli %mul3A_370, %scan3A_361 : i32
        %add3A_372 = arith.constant 0 : i32
        %add3A_373 = arith.addi %mul3A_371, %add3A_372 : i32
        %get3A = arith.constant 1 : i32
        %get3A_374 = arith.index_cast %get3A : i32 to index
        %get3A_375 = arith.index_cast %add3A_373 : i32 to index
        %get3A_376 = arith.constant 0 : index
        %get3A_377 = tpu.vector_load %arg6[%get3A_374, %get3A_375, %get3A_376] {strides = array<i32>} : memref<2x200x64xf32, #tpu.memory_space<vmem>>, vector<1x1x16xf32>,
        %get3A_378 = vector.shape_cast %get3A_377 : vector<1x1x16xf32> to vector<16xf32>
        %add3A_379 = arith.addf %scan3A_362, %get3A_378 : vector<16xf32>
        %mul3A_380 = arith.constant 4 : i32
        %mul3A_381 = arith.muli %mul3A_380, %scan3A_361 : i32
        %add3A_382 = arith.constant 0 : i32
        %add3A_383 = arith.addi %mul3A_381, %add3A_382 : i32
        %get3A_384 = arith.constant 1 : i32
        %get3A_385 = arith.index_cast %get3A_384 : i32 to index
        %get3A_386 = arith.index_cast %add3A_383 : i32 to index
        %get3A_387 = arith.constant 16 : index
        %get3A_388 = tpu.vector_load %arg6[%get3A_385, %get3A_386, %get3A_387] {strides = array<i32>} : memref<2x200x64xf32, #tpu.memory_space<vmem>>, vector<1x1x16xf32>,
        %get3A_389 = vector.shape_cast %get3A_388 : vector<1x1x16xf32> to vector<16xf32>
        %add3A_390 = arith.addf %scan3A_363, %get3A_389 : vector<16xf32>
        %mul3A_391 = arith.constant 4 : i32
        %mul3A_392 = arith.muli %mul3A_391, %scan3A_361 : i32
        %add3A_393 = arith.constant 0 : i32
        %add3A_394 = arith.addi %mul3A_392, %add3A_393 : i32
        %get3A_395 = arith.constant 1 : i32
        %get3A_396 = arith.index_cast %get3A_395 : i32 to index
        %get3A_397 = arith.index_cast %add3A_394 : i32 to index
        %get3A_398 = arith.constant 32 : index
        %get3A_399 = tpu.vector_load %arg6[%get3A_396, %get3A_397, %get3A_398] {strides = array<i32>} : memref<2x200x64xf32, #tpu.memory_space<vmem>>, vector<1x1x16xf32>,
        %get3A_400 = vector.shape_cast %get3A_399 : vector<1x1x16xf32> to vector<16xf32>
        %add3A_401 = arith.addf %scan3A_364, %get3A_400 : vector<16xf32>
        %mul3A_402 = arith.constant 4 : i32
        %mul3A_403 = arith.muli %mul3A_402, %scan3A_361 : i32
        %add3A_404 = arith.constant 0 : i32
        %add3A_405 = arith.addi %mul3A_403, %add3A_404 : i32
        %get3A_406 = arith.constant 1 : i32
        %get3A_407 = arith.index_cast %get3A_406 : i32 to index
        %get3A_408 = arith.index_cast %add3A_405 : i32 to index
        %get3A_409 = arith.constant 48 : index
        %get3A_410 = tpu.vector_load %arg6[%get3A_407, %get3A_408, %get3A_409] {strides = array<i32>} : memref<2x200x64xf32, #tpu.memory_space<vmem>>, vector<1x1x16xf32>,
        %get3A_411 = vector.shape_cast %get3A_410 : vector<1x1x16xf32> to vector<16xf32>
        %add3A_412 = arith.addf %scan3A_365, %get3A_411 : vector<16xf32>
        %mul3A_413 = arith.constant 4 : i32
        %mul3A_414 = arith.muli %mul3A_413, %scan3A_361 : i32
        %add3A_415 = arith.constant 1 : i32
        %add3A_416 = arith.addi %mul3A_414, %add3A_415 : i32
        %get3A_417 = arith.constant 1 : i32
        %get3A_418 = arith.index_cast %get3A_417 : i32 to index
        %get3A_419 = arith.index_cast %add3A_416 : i32 to index
        %get3A_420 = arith.constant 0 : index
        %get3A_421 = tpu.vector_load %arg6[%get3A_418, %get3A_419, %get3A_420] {strides = array<i32>} : memref<2x200x64xf32, #tpu.memory_space<vmem>>, vector<1x1x16xf32>,
        %get3A_422 = vector.shape_cast %get3A_421 : vector<1x1x16xf32> to vector<16xf32>
        %add3A_423 = arith.addf %scan3A_366, %get3A_422 : vector<16xf32>
        %mul3A_424 = arith.constant 4 : i32
        %mul3A_425 = arith.muli %mul3A_424, %scan3A_361 : i32
        %add3A_426 = arith.constant 1 : i32
        %add3A_427 = arith.addi %mul3A_425, %add3A_426 : i32
        %get3A_428 = arith.constant 1 : i32
        %get3A_429 = arith.index_cast %get3A_428 : i32 to index
        %get3A_430 = arith.index_cast %add3A_427 : i32 to index
        %get3A_431 = arith.constant 16 : index
        %get3A_432 = tpu.vector_load %arg6[%get3A_429, %get3A_430, %get3A_431] {strides = array<i32>} : memref<2x200x64xf32, #tpu.memory_space<vmem>>, vector<1x1x16xf32>,
        %get3A_433 = vector.shape_cast %get3A_432 : vector<1x1x16xf32> to vector<16xf32>
        %add3A_434 = arith.addf %scan3A_367, %get3A_433 : vector<16xf32>
        %mul3A_435 = arith.constant 4 : i32
        %mul3A_436 = arith.muli %mul3A_435, %scan3A_361 : i32
        %add3A_437 = arith.constant 1 : i32
        %add3A_438 = arith.addi %mul3A_436, %add3A_437 : i32
        %get3A_439 = arith.constant 1 : i32
        %get3A_440 = arith.index_cast %get3A_439 : i32 to index
        %get3A_441 = arith.index_cast %add3A_438 : i32 to index
        %get3A_442 = arith.constant 32 : index
        %get3A_443 = tpu.vector_load %arg6[%get3A_440, %get3A_441, %get3A_442] {strides = array<i32>} : memref<2x200x64xf32, #tpu.memory_space<vmem>>, vector<1x1x16xf32>,
        %get3A_444 = vector.shape_cast %get3A_443 : vector<1x1x16xf32> to vector<16xf32>
        %add3A_445 = arith.addf %scan3A_368, %get3A_444 : vector<16xf32>
        %mul3A_446 = arith.constant 4 : i32
        %mul3A_447 = arith.muli %mul3A_446, %scan3A_361 : i32
        %add3A_448 = arith.constant 1 : i32
        %add3A_449 = arith.addi %mul3A_447, %add3A_448 : i32
        %get3A_450 = arith.constant 1 : i32
        %get3A_451 = arith.index_cast %get3A_450 : i32 to index
        %get3A_452 = arith.index_cast %add3A_449 : i32 to index
        %get3A_453 = arith.constant 48 : index
        %get3A_454 = tpu.vector_load %arg6[%get3A_451, %get3A_452, %get3A_453] {strides = array<i32>} : memref<2x200x64xf32, #tpu.memory_space<vmem>>, vector<1x1x16xf32>,
        %get3A_455 = vector.shape_cast %get3A_454 : vector<1x1x16xf32> to vector<16xf32>
        %add3A_456 = arith.addf %scan3A_369, %get3A_455 : vector<16xf32>
        %mul3A_457 = arith.constant 4 : i32
        %mul3A_458 = arith.muli %mul3A_457, %scan3A_361 : i32
        %add3A_459 = arith.constant 2 : i32
        %add3A_460 = arith.addi %mul3A_458, %add3A_459 : i32
        %get3A_461 = arith.constant 1 : i32
        %get3A_462 = arith.index_cast %get3A_461 : i32 to index
        %get3A_463 = arith.index_cast %add3A_460 : i32 to index
        %get3A_464 = arith.constant 0 : index
        %get3A_465 = tpu.vector_load %arg6[%get3A_462, %get3A_463, %get3A_464] {strides = array<i32>} : memref<2x200x64xf32, #tpu.memory_space<vmem>>, vector<1x1x16xf32>,
        %get3A_466 = vector.shape_cast %get3A_465 : vector<1x1x16xf32> to vector<16xf32>
        %add3A_467 = arith.addf %add3A_379, %get3A_466 : vector<16xf32>
        %mul3A_468 = arith.constant 4 : i32
        %mul3A_469 = arith.muli %mul3A_468, %scan3A_361 : i32
        %add3A_470 = arith.constant 2 : i32
        %add3A_471 = arith.addi %mul3A_469, %add3A_470 : i32
        %get3A_472 = arith.constant 1 : i32
        %get3A_473 = arith.index_cast %get3A_472 : i32 to index
        %get3A_474 = arith.index_cast %add3A_471 : i32 to index
        %get3A_475 = arith.constant 16 : index
        %get3A_476 = tpu.vector_load %arg6[%get3A_473, %get3A_474, %get3A_475] {strides = array<i32>} : memref<2x200x64xf32, #tpu.memory_space<vmem>>, vector<1x1x16xf32>,
        %get3A_477 = vector.shape_cast %get3A_476 : vector<1x1x16xf32> to vector<16xf32>
        %add3A_478 = arith.addf %add3A_390, %get3A_477 : vector<16xf32>
        %mul3A_479 = arith.constant 4 : i32
        %mul3A_480 = arith.muli %mul3A_479, %scan3A_361 : i32
        %add3A_481 = arith.constant 2 : i32
        %add3A_482 = arith.addi %mul3A_480, %add3A_481 : i32
        %get3A_483 = arith.constant 1 : i32
        %get3A_484 = arith.index_cast %get3A_483 : i32 to index
        %get3A_485 = arith.index_cast %add3A_482 : i32 to index
        %get3A_486 = arith.constant 32 : index
        %get3A_487 = tpu.vector_load %arg6[%get3A_484, %get3A_485, %get3A_486] {strides = array<i32>} : memref<2x200x64xf32, #tpu.memory_space<vmem>>, vector<1x1x16xf32>,
        %get3A_488 = vector.shape_cast %get3A_487 : vector<1x1x16xf32> to vector<16xf32>
        %add3A_489 = arith.addf %add3A_401, %get3A_488 : vector<16xf32>
        %mul3A_490 = arith.constant 4 : i32
        %mul3A_491 = arith.muli %mul3A_490, %scan3A_361 : i32
        %add3A_492 = arith.constant 2 : i32
        %add3A_493 = arith.addi %mul3A_491, %add3A_492 : i32
        %get3A_494 = arith.constant 1 : i32
        %get3A_495 = arith.index_cast %get3A_494 : i32 to index
        %get3A_496 = arith.index_cast %add3A_493 : i32 to index
        %get3A_497 = arith.constant 48 : index
        %get3A_498 = tpu.vector_load %arg6[%get3A_495, %get3A_496, %get3A_497] {strides = array<i32>} : memref<2x200x64xf32, #tpu.memory_space<vmem>>, vector<1x1x16xf32>,
        %get3A_499 = vector.shape_cast %get3A_498 : vector<1x1x16xf32> to vector<16xf32>
        %add3A_500 = arith.addf %add3A_412, %get3A_499 : vector<16xf32>
        %mul3A_501 = arith.constant 4 : i32
        %mul3A_502 = arith.muli %mul3A_501, %scan3A_361 : i32
        %add3A_503 = arith.constant 3 : i32
        %add3A_504 = arith.addi %mul3A_502, %add3A_503 : i32
        %get3A_505 = arith.constant 1 : i32
        %get3A_506 = arith.index_cast %get3A_505 : i32 to index
        %get3A_507 = arith.index_cast %add3A_504 : i32 to index
        %get3A_508 = arith.constant 0 : index
        %get3A_509 = tpu.vector_load %arg6[%get3A_506, %get3A_507, %get3A_508] {strides = array<i32>} : memref<2x200x64xf32, #tpu.memory_space<vmem>>, vector<1x1x16xf32>,
        %get3A_510 = vector.shape_cast %get3A_509 : vector<1x1x16xf32> to vector<16xf32>
        %add3A_511 = arith.addf %add3A_423, %get3A_510 : vector<16xf32>
        %mul3A_512 = arith.constant 4 : i32
        %mul3A_513 = arith.muli %mul3A_512, %scan3A_361 : i32
        %add3A_514 = arith.constant 3 : i32
        %add3A_515 = arith.addi %mul3A_513, %add3A_514 : i32
        %get3A_516 = arith.constant 1 : i32
        %get3A_517 = arith.index_cast %get3A_516 : i32 to index
        %get3A_518 = arith.index_cast %add3A_515 : i32 to index
        %get3A_519 = arith.constant 16 : index
        %get3A_520 = tpu.vector_load %arg6[%get3A_517, %get3A_518, %get3A_519] {strides = array<i32>} : memref<2x200x64xf32, #tpu.memory_space<vmem>>, vector<1x1x16xf32>,
        %get3A_521 = vector.shape_cast %get3A_520 : vector<1x1x16xf32> to vector<16xf32>
        %add3A_522 = arith.addf %add3A_434, %get3A_521 : vector<16xf32>
        %mul3A_523 = arith.constant 4 : i32
        %mul3A_524 = arith.muli %mul3A_523, %scan3A_361 : i32
        %add3A_525 = arith.constant 3 : i32
        %add3A_526 = arith.addi %mul3A_524, %add3A_525 : i32
        %get3A_527 = arith.constant 1 : i32
        %get3A_528 = arith.index_cast %get3A_527 : i32 to index
        %get3A_529 = arith.index_cast %add3A_526 : i32 to index
        %get3A_530 = arith.constant 32 : index
        %get3A_531 = tpu.vector_load %arg6[%get3A_528, %get3A_529, %get3A_530] {strides = array<i32>} : memref<2x200x64xf32, #tpu.memory_space<vmem>>, vector<1x1x16xf32>,
        %get3A_532 = vector.shape_cast %get3A_531 : vector<1x1x16xf32> to vector<16xf32>
        %add3A_533 = arith.addf %add3A_445, %get3A_532 : vector<16xf32>
        %mul3A_534 = arith.constant 4 : i32
        %mul3A_535 = arith.muli %mul3A_534, %scan3A_361 : i32
        %add3A_536 = arith.constant 3 : i32
        %add3A_537 = arith.addi %mul3A_535, %add3A_536 : i32
        %get3A_538 = arith.constant 1 : i32
        %get3A_539 = arith.index_cast %get3A_538 : i32 to index
        %get3A_540 = arith.index_cast %add3A_537 : i32 to index
        %get3A_541 = arith.constant 48 : index
        %get3A_542 = tpu.vector_load %arg6[%get3A_539, %get3A_540, %get3A_541] {strides = array<i32>} : memref<2x200x64xf32, #tpu.memory_space<vmem>>, vector<1x1x16xf32>,
        %get3A_543 = vector.shape_cast %get3A_542 : vector<1x1x16xf32> to vector<16xf32>
        %add3A_544 = arith.addf %add3A_456, %get3A_543 : vector<16xf32>
        scf.yield %add3A_467, %add3A_478, %add3A_489, %add3A_500, %add3A_511, %add3A_522, %add3A_533, %add3A_544 : vector<16xf32>, vector<16xf32>, vector<16xf32>, vector<16xf32>, vector<16xf32>, vector<16xf32>, vector<16xf32>, vector<16xf32>
      }
      %scan3A_306 = arith.constant 50 : i32
      %add3A_307 = arith.addf %scan3A_305#0, %scan3A_305#4 : vector<16xf32>
      %swap3A_308 = arith.index_cast %add3A_298 : i32 to index
      %swap3A_309 = arith.constant 0 : index
      %swap3A_310 = tpu.vector_load %arg7[%swap3A_308, %swap3A_309] {strides = array<i32>} : memref<128x64xf32, #tpu.memory_space<vmem>>, vector<1x16xf32>,
      %swap3A_311 = vector.shape_cast %swap3A_310 : vector<1x16xf32> to vector<16xf32>
      %swap3A_312 = vector.shape_cast %add3A_307 : vector<16xf32> to vector<1x16xf32>
      tpu.vector_store %arg7[%swap3A_308, %swap3A_309], %swap3A_312 {strides = array<i32>} : memref<128x64xf32, #tpu.memory_space<vmem>>, vector<1x16xf32>,
      %add3A_313 = arith.addf %scan3A_305#1, %scan3A_305#5 : vector<16xf32>
      %swap3A_314 = arith.index_cast %add3A_298 : i32 to index
      %swap3A_315 = arith.constant 16 : index
      %swap3A_316 = tpu.vector_load %arg7[%swap3A_314, %swap3A_315] {strides = array<i32>} : memref<128x64xf32, #tpu.memory_space<vmem>>, vector<1x16xf32>,
      %swap3A_317 = vector.shape_cast %swap3A_316 : vector<1x16xf32> to vector<16xf32>
      %swap3A_318 = vector.shape_cast %add3A_313 : vector<16xf32> to vector<1x16xf32>
      tpu.vector_store %arg7[%swap3A_314, %swap3A_315], %swap3A_318 {strides = array<i32>} : memref<128x64xf32, #tpu.memory_space<vmem>>, vector<1x16xf32>,
      %add3A_319 = arith.addf %scan3A_305#2, %scan3A_305#6 : vector<16xf32>
      %swap3A_320 = arith.index_cast %add3A_298 : i32 to index
      %swap3A_321 = arith.constant 32 : index
      %swap3A_322 = tpu.vector_load %arg7[%swap3A_320, %swap3A_321] {strides = array<i32>} : memref<128x64xf32, #tpu.memory_space<vmem>>, vector<1x16xf32>,
      %swap3A_323 = vector.shape_cast %swap3A_322 : vector<1x16xf32> to vector<16xf32>
      %swap3A_324 = vector.shape_cast %add3A_319 : vector<16xf32> to vector<1x16xf32>
      tpu.vector_store %arg7[%swap3A_320, %swap3A_321], %swap3A_324 {strides = array<i32>} : memref<128x64xf32, #tpu.memory_space<vmem>>, vector<1x16xf32>,
      %add3A_325 = arith.addf %scan3A_305#3, %scan3A_305#7 : vector<16xf32>
      %swap3A_326 = arith.index_cast %add3A_298 : i32 to index
      %swap3A_327 = arith.constant 48 : index
      %swap3A_328 = tpu.vector_load %arg7[%swap3A_326, %swap3A_327] {strides = array<i32>} : memref<128x64xf32, #tpu.memory_space<vmem>>, vector<1x16xf32>,
      %swap3A_329 = vector.shape_cast %swap3A_328 : vector<1x16xf32> to vector<16xf32>
      %swap3A_330 = vector.shape_cast %add3A_325 : vector<16xf32> to vector<1x16xf32>
      tpu.vector_store %arg7[%swap3A_326, %swap3A_327], %swap3A_330 {strides = array<i32>} : memref<128x64xf32, #tpu.memory_space<vmem>>, vector<1x16xf32>,
      %add3A_331 = arith.constant 3 : i32
      %add3A_332 = arith.addi %mul3A_176, %add3A_331 : i32
      %mul3A_333 = arith.constant 2 : i32
      %mul3A_334 = arith.muli %mul3A_333, %add3A_332 : i32
      %mul3A_335 = arith.constant 2 : i32
      %mul3A_336 = arith.muli %mul3A_335, %add3A_332 : i32
      %add3A_337 = arith.constant 1 : i32
      %add3A_338 = arith.addi %mul3A_336, %add3A_337 : i32
      %dma_start3A_339 = arith.constant 1 : i32
      %dma_start3A_340 = arith.constant 0 : i32
      %dma_start3A_341 = arith.constant 0 : i32
      %dma_start3A_342 = tpu.memref_slice %arg6[%dma_start3A_339, %dma_start3A_340, %dma_start3A_341] : memref<2x200x64xf32, #tpu.memory_space<vmem>> -> memref<1x100x64xf32, #tpu.memory_space<vmem>>
      %dma_start3A_343 = tpu.memref_squeeze %dma_start3A_342 : memref<1x100x64xf32, #tpu.memory_space<vmem>> -> memref<100x64xf32, #tpu.memory_space<vmem>>
      %dma_start3A_344 = arith.constant 0 : i32
      %dma_start3A_345 = tpu.memref_slice %arg5[%mul3A_334, %dma_start3A_344] : memref<256x100xi32, #tpu.memory_space<vmem>> -> memref<1x100xi32, #tpu.memory_space<vmem>>
      %dma_start3A_346 = tpu.memref_squeeze %dma_start3A_345 : memref<1x100xi32, #tpu.memory_space<vmem>> -> memref<100xi32, #tpu.memory_space<vmem>>
      %dma_start3A_347 = arith.constant 0 : i32
      %dma_start3A_348 = arith.constant 0 : i32
      %dma_start3A_349 = tpu.memref_slice %arg2[%dma_start3A_347, %dma_start3A_348] : memref<1000000x64xf32, #tpu.memory_space<hbm>> -> memref<1000000x64xf32, #tpu.memory_space<hbm>>
      tpu.enqueue_indirect_dma source(%dma_start3A_349 : memref<1000000x64xf32, #tpu.memory_space<hbm>>) target(%dma_start3A_343 : memref<100x64xf32, #tpu.memory_space<vmem>>) offsets(%dma_start3A_346 : memref<100xi32, #tpu.memory_space<vmem>>) semaphore(%arg9 : memref<!tpu.dma_semaphore, #tpu.memory_space<semaphore_mem>>)
      %dma_start3A_350 = arith.constant 1 : i32
      %dma_start3A_351 = arith.constant 100 : i32
      %dma_start3A_352 = arith.constant 0 : i32
      %dma_start3A_353 = tpu.memref_slice %arg6[%dma_start3A_350, %dma_start3A_351, %dma_start3A_352] : memref<2x200x64xf32, #tpu.memory_space<vmem>> -> memref<1x100x64xf32, #tpu.memory_space<vmem>>
      %dma_start3A_354 = tpu.memref_squeeze %dma_start3A_353 : memref<1x100x64xf32, #tpu.memory_space<vmem>> -> memref<100x64xf32, #tpu.memory_space<vmem>>
      %dma_start3A_355 = arith.constant 0 : i32
      %dma_start3A_356 = tpu.memref_slice %arg5[%add3A_338, %dma_start3A_355] : memref<256x100xi32, #tpu.memory_space<vmem>> -> memref<1x100xi32, #tpu.memory_space<vmem>>
      %dma_start3A_357 = tpu.memref_squeeze %dma_start3A_356 : memref<1x100xi32, #tpu.memory_space<vmem>> -> memref<100xi32, #tpu.memory_space<vmem>>
      %dma_start3A_358 = arith.constant 0 : i32
      %dma_start3A_359 = arith.constant 0 : i32
      %dma_start3A_360 = tpu.memref_slice %arg2[%dma_start3A_358, %dma_start3A_359] : memref<1000000x64xf32, #tpu.memory_space<hbm>> -> memref<1000000x64xf32, #tpu.memory_space<hbm>>
      tpu.enqueue_indirect_dma source(%dma_start3A_360 : memref<1000000x64xf32, #tpu.memory_space<hbm>>) target(%dma_start3A_354 : memref<100x64xf32, #tpu.memory_space<vmem>>) offsets(%dma_start3A_357 : memref<100xi32, #tpu.memory_space<vmem>>) semaphore(%arg9 : memref<!tpu.dma_semaphore, #tpu.memory_space<semaphore_mem>>)
    }
    %scan3A_54 = arith.constant 63 : i32
    %dma_wait3A = arith.constant 252 : i32
    %dma_wait3A_55 = arith.constant 0 : i32
    %dma_wait3A_56 = arith.constant 0 : i32
    %dma_wait3A_57 = arith.constant 0 : i32
    %dma_wait3A_58 = tpu.memref_slice %arg6[%dma_wait3A_55, %dma_wait3A_56, %dma_wait3A_57] : memref<2x200x64xf32, #tpu.memory_space<vmem>> -> memref<1x100x64xf32, #tpu.memory_space<vmem>>
    %dma_wait3A_59 = tpu.memref_squeeze %dma_wait3A_58 : memref<1x100x64xf32, #tpu.memory_space<vmem>> -> memref<100x64xf32, #tpu.memory_space<vmem>>
    %dma_wait3A_60 = arith.constant 0 : i32
    %dma_wait3A_61 = tpu.memref_slice %arg5[%dma_wait3A, %dma_wait3A_60] : memref<256x100xi32, #tpu.memory_space<vmem>> -> memref<1x100xi32, #tpu.memory_space<vmem>>
    %dma_wait3A_62 = tpu.memref_squeeze %dma_wait3A_61 : memref<1x100xi32, #tpu.memory_space<vmem>> -> memref<100xi32, #tpu.memory_space<vmem>>
    %dma_wait3A_63 = arith.constant 0 : i32
    %dma_wait3A_64 = arith.constant 0 : i32
    %dma_wait3A_65 = tpu.memref_slice %arg2[%dma_wait3A_63, %dma_wait3A_64] : memref<1000000x64xf32, #tpu.memory_space<hbm>> -> memref<1000000x64xf32, #tpu.memory_space<hbm>>
    tpu.wait_indirect_dma semaphore(%arg8 : memref<!tpu.dma_semaphore, #tpu.memory_space<semaphore_mem>>) src(%dma_wait3A_65 : memref<1000000x64xf32, #tpu.memory_space<hbm>>) dst(%dma_wait3A_59 : memref<100x64xf32, #tpu.memory_space<vmem>>)
    %dma_wait3A_66 = arith.constant 253 : i32
    %dma_wait3A_67 = arith.constant 0 : i32
    %dma_wait3A_68 = arith.constant 100 : i32
    %dma_wait3A_69 = arith.constant 0 : i32
    %dma_wait3A_70 = tpu.memref_slice %arg6[%dma_wait3A_67, %dma_wait3A_68, %dma_wait3A_69] : memref<2x200x64xf32, #tpu.memory_space<vmem>> -> memref<1x100x64xf32, #tpu.memory_space<vmem>>
    %dma_wait3A_71 = tpu.memref_squeeze %dma_wait3A_70 : memref<1x100x64xf32, #tpu.memory_space<vmem>> -> memref<100x64xf32, #tpu.memory_space<vmem>>
    %dma_wait3A_72 = arith.constant 0 : i32
    %dma_wait3A_73 = tpu.memref_slice %arg5[%dma_wait3A_66, %dma_wait3A_72] : memref<256x100xi32, #tpu.memory_space<vmem>> -> memref<1x100xi32, #tpu.memory_space<vmem>>
    %dma_wait3A_74 = tpu.memref_squeeze %dma_wait3A_73 : memref<1x100xi32, #tpu.memory_space<vmem>> -> memref<100xi32, #tpu.memory_space<vmem>>
    %dma_wait3A_75 = arith.constant 0 : i32
    %dma_wait3A_76 = arith.constant 0 : i32
    %dma_wait3A_77 = tpu.memref_slice %arg2[%dma_wait3A_75, %dma_wait3A_76] : memref<1000000x64xf32, #tpu.memory_space<hbm>> -> memref<1000000x64xf32, #tpu.memory_space<hbm>>
    tpu.wait_indirect_dma semaphore(%arg8 : memref<!tpu.dma_semaphore, #tpu.memory_space<semaphore_mem>>) src(%dma_wait3A_77 : memref<1000000x64xf32, #tpu.memory_space<hbm>>) dst(%dma_wait3A_71 : memref<100x64xf32, #tpu.memory_space<vmem>>)
    %broadcast_in_dim3A = arith.constant 0.000000e+00 : f32
    %broadcast_in_dim3A_78 = vector.broadcast %broadcast_in_dim3A : f32 to vector<16xf32>
    %scan3A_79 = arith.constant 0 : i32
    %scan3A_80 = arith.constant 50 : i32
    %scan3A_81 = arith.addi %scan3A_79, %scan3A_80 : i32
    %scan3A_82 = arith.constant 1 : i32
    %scan3A_83:8 = scf.for %scan3A_174 = %scan3A_79 to %scan3A_81 step %scan3A_82 iter_args(%scan3A_175 = %broadcast_in_dim3A_78, %scan3A_176 = %broadcast_in_dim3A_78, %scan3A_177 = %broadcast_in_dim3A_78, %scan3A_178 = %broadcast_in_dim3A_78, %scan3A_179 = %broadcast_in_dim3A_78, %scan3A_180 = %broadcast_in_dim3A_78, %scan3A_181 = %broadcast_in_dim3A_78, %scan3A_182 = %broadcast_in_dim3A_78) -> (vector<16xf32>, vector<16xf32>, vector<16xf32>, vector<16xf32>, vector<16xf32>, vector<16xf32>, vector<16xf32>, vector<16xf32>)  : i32 {
      %mul3A_183 = arith.constant 4 : i32
      %mul3A_184 = arith.muli %mul3A_183, %scan3A_174 : i32
      %add3A_185 = arith.constant 0 : i32
      %add3A_186 = arith.addi %mul3A_184, %add3A_185 : i32
      %get3A = arith.constant 0 : i32
      %get3A_187 = arith.index_cast %get3A : i32 to index
      %get3A_188 = arith.index_cast %add3A_186 : i32 to index
      %get3A_189 = arith.constant 0 : index
      %get3A_190 = tpu.vector_load %arg6[%get3A_187, %get3A_188, %get3A_189] {strides = array<i32>} : memref<2x200x64xf32, #tpu.memory_space<vmem>>, vector<1x1x16xf32>,
      %get3A_191 = vector.shape_cast %get3A_190 : vector<1x1x16xf32> to vector<16xf32>
      %add3A_192 = arith.addf %scan3A_175, %get3A_191 : vector<16xf32>
      %mul3A_193 = arith.constant 4 : i32
      %mul3A_194 = arith.muli %mul3A_193, %scan3A_174 : i32
      %add3A_195 = arith.constant 0 : i32
      %add3A_196 = arith.addi %mul3A_194, %add3A_195 : i32
      %get3A_197 = arith.constant 0 : i32
      %get3A_198 = arith.index_cast %get3A_197 : i32 to index
      %get3A_199 = arith.index_cast %add3A_196 : i32 to index
      %get3A_200 = arith.constant 16 : index
      %get3A_201 = tpu.vector_load %arg6[%get3A_198, %get3A_199, %get3A_200] {strides = array<i32>} : memref<2x200x64xf32, #tpu.memory_space<vmem>>, vector<1x1x16xf32>,
      %get3A_202 = vector.shape_cast %get3A_201 : vector<1x1x16xf32> to vector<16xf32>
      %add3A_203 = arith.addf %scan3A_176, %get3A_202 : vector<16xf32>
      %mul3A_204 = arith.constant 4 : i32
      %mul3A_205 = arith.muli %mul3A_204, %scan3A_174 : i32
      %add3A_206 = arith.constant 0 : i32
      %add3A_207 = arith.addi %mul3A_205, %add3A_206 : i32
      %get3A_208 = arith.constant 0 : i32
      %get3A_209 = arith.index_cast %get3A_208 : i32 to index
      %get3A_210 = arith.index_cast %add3A_207 : i32 to index
      %get3A_211 = arith.constant 32 : index
      %get3A_212 = tpu.vector_load %arg6[%get3A_209, %get3A_210, %get3A_211] {strides = array<i32>} : memref<2x200x64xf32, #tpu.memory_space<vmem>>, vector<1x1x16xf32>,
      %get3A_213 = vector.shape_cast %get3A_212 : vector<1x1x16xf32> to vector<16xf32>
      %add3A_214 = arith.addf %scan3A_177, %get3A_213 : vector<16xf32>
      %mul3A_215 = arith.constant 4 : i32
      %mul3A_216 = arith.muli %mul3A_215, %scan3A_174 : i32
      %add3A_217 = arith.constant 0 : i32
      %add3A_218 = arith.addi %mul3A_216, %add3A_217 : i32
      %get3A_219 = arith.constant 0 : i32
      %get3A_220 = arith.index_cast %get3A_219 : i32 to index
      %get3A_221 = arith.index_cast %add3A_218 : i32 to index
      %get3A_222 = arith.constant 48 : index
      %get3A_223 = tpu.vector_load %arg6[%get3A_220, %get3A_221, %get3A_222] {strides = array<i32>} : memref<2x200x64xf32, #tpu.memory_space<vmem>>, vector<1x1x16xf32>,
      %get3A_224 = vector.shape_cast %get3A_223 : vector<1x1x16xf32> to vector<16xf32>
      %add3A_225 = arith.addf %scan3A_178, %get3A_224 : vector<16xf32>
      %mul3A_226 = arith.constant 4 : i32
      %mul3A_227 = arith.muli %mul3A_226, %scan3A_174 : i32
      %add3A_228 = arith.constant 1 : i32
      %add3A_229 = arith.addi %mul3A_227, %add3A_228 : i32
      %get3A_230 = arith.constant 0 : i32
      %get3A_231 = arith.index_cast %get3A_230 : i32 to index
      %get3A_232 = arith.index_cast %add3A_229 : i32 to index
      %get3A_233 = arith.constant 0 : index
      %get3A_234 = tpu.vector_load %arg6[%get3A_231, %get3A_232, %get3A_233] {strides = array<i32>} : memref<2x200x64xf32, #tpu.memory_space<vmem>>, vector<1x1x16xf32>,
      %get3A_235 = vector.shape_cast %get3A_234 : vector<1x1x16xf32> to vector<16xf32>
      %add3A_236 = arith.addf %scan3A_179, %get3A_235 : vector<16xf32>
      %mul3A_237 = arith.constant 4 : i32
      %mul3A_238 = arith.muli %mul3A_237, %scan3A_174 : i32
      %add3A_239 = arith.constant 1 : i32
      %add3A_240 = arith.addi %mul3A_238, %add3A_239 : i32
      %get3A_241 = arith.constant 0 : i32
      %get3A_242 = arith.index_cast %get3A_241 : i32 to index
      %get3A_243 = arith.index_cast %add3A_240 : i32 to index
      %get3A_244 = arith.constant 16 : index
      %get3A_245 = tpu.vector_load %arg6[%get3A_242, %get3A_243, %get3A_244] {strides = array<i32>} : memref<2x200x64xf32, #tpu.memory_space<vmem>>, vector<1x1x16xf32>,
      %get3A_246 = vector.shape_cast %get3A_245 : vector<1x1x16xf32> to vector<16xf32>
      %add3A_247 = arith.addf %scan3A_180, %get3A_246 : vector<16xf32>
      %mul3A_248 = arith.constant 4 : i32
      %mul3A_249 = arith.muli %mul3A_248, %scan3A_174 : i32
      %add3A_250 = arith.constant 1 : i32
      %add3A_251 = arith.addi %mul3A_249, %add3A_250 : i32
      %get3A_252 = arith.constant 0 : i32
      %get3A_253 = arith.index_cast %get3A_252 : i32 to index
      %get3A_254 = arith.index_cast %add3A_251 : i32 to index
      %get3A_255 = arith.constant 32 : index
      %get3A_256 = tpu.vector_load %arg6[%get3A_253, %get3A_254, %get3A_255] {strides = array<i32>} : memref<2x200x64xf32, #tpu.memory_space<vmem>>, vector<1x1x16xf32>,
      %get3A_257 = vector.shape_cast %get3A_256 : vector<1x1x16xf32> to vector<16xf32>
      %add3A_258 = arith.addf %scan3A_181, %get3A_257 : vector<16xf32>
      %mul3A_259 = arith.constant 4 : i32
      %mul3A_260 = arith.muli %mul3A_259, %scan3A_174 : i32
      %add3A_261 = arith.constant 1 : i32
      %add3A_262 = arith.addi %mul3A_260, %add3A_261 : i32
      %get3A_263 = arith.constant 0 : i32
      %get3A_264 = arith.index_cast %get3A_263 : i32 to index
      %get3A_265 = arith.index_cast %add3A_262 : i32 to index
      %get3A_266 = arith.constant 48 : index
      %get3A_267 = tpu.vector_load %arg6[%get3A_264, %get3A_265, %get3A_266] {strides = array<i32>} : memref<2x200x64xf32, #tpu.memory_space<vmem>>, vector<1x1x16xf32>,
      %get3A_268 = vector.shape_cast %get3A_267 : vector<1x1x16xf32> to vector<16xf32>
      %add3A_269 = arith.addf %scan3A_182, %get3A_268 : vector<16xf32>
      %mul3A_270 = arith.constant 4 : i32
      %mul3A_271 = arith.muli %mul3A_270, %scan3A_174 : i32
      %add3A_272 = arith.constant 2 : i32
      %add3A_273 = arith.addi %mul3A_271, %add3A_272 : i32
      %get3A_274 = arith.constant 0 : i32
      %get3A_275 = arith.index_cast %get3A_274 : i32 to index
      %get3A_276 = arith.index_cast %add3A_273 : i32 to index
      %get3A_277 = arith.constant 0 : index
      %get3A_278 = tpu.vector_load %arg6[%get3A_275, %get3A_276, %get3A_277] {strides = array<i32>} : memref<2x200x64xf32, #tpu.memory_space<vmem>>, vector<1x1x16xf32>,
      %get3A_279 = vector.shape_cast %get3A_278 : vector<1x1x16xf32> to vector<16xf32>
      %add3A_280 = arith.addf %add3A_192, %get3A_279 : vector<16xf32>
      %mul3A_281 = arith.constant 4 : i32
      %mul3A_282 = arith.muli %mul3A_281, %scan3A_174 : i32
      %add3A_283 = arith.constant 2 : i32
      %add3A_284 = arith.addi %mul3A_282, %add3A_283 : i32
      %get3A_285 = arith.constant 0 : i32
      %get3A_286 = arith.index_cast %get3A_285 : i32 to index
      %get3A_287 = arith.index_cast %add3A_284 : i32 to index
      %get3A_288 = arith.constant 16 : index
      %get3A_289 = tpu.vector_load %arg6[%get3A_286, %get3A_287, %get3A_288] {strides = array<i32>} : memref<2x200x64xf32, #tpu.memory_space<vmem>>, vector<1x1x16xf32>,
      %get3A_290 = vector.shape_cast %get3A_289 : vector<1x1x16xf32> to vector<16xf32>
      %add3A_291 = arith.addf %add3A_203, %get3A_290 : vector<16xf32>
      %mul3A_292 = arith.constant 4 : i32
      %mul3A_293 = arith.muli %mul3A_292, %scan3A_174 : i32
      %add3A_294 = arith.constant 2 : i32
      %add3A_295 = arith.addi %mul3A_293, %add3A_294 : i32
      %get3A_296 = arith.constant 0 : i32
      %get3A_297 = arith.index_cast %get3A_296 : i32 to index
      %get3A_298 = arith.index_cast %add3A_295 : i32 to index
      %get3A_299 = arith.constant 32 : index
      %get3A_300 = tpu.vector_load %arg6[%get3A_297, %get3A_298, %get3A_299] {strides = array<i32>} : memref<2x200x64xf32, #tpu.memory_space<vmem>>, vector<1x1x16xf32>,
      %get3A_301 = vector.shape_cast %get3A_300 : vector<1x1x16xf32> to vector<16xf32>
      %add3A_302 = arith.addf %add3A_214, %get3A_301 : vector<16xf32>
      %mul3A_303 = arith.constant 4 : i32
      %mul3A_304 = arith.muli %mul3A_303, %scan3A_174 : i32
      %add3A_305 = arith.constant 2 : i32
      %add3A_306 = arith.addi %mul3A_304, %add3A_305 : i32
      %get3A_307 = arith.constant 0 : i32
      %get3A_308 = arith.index_cast %get3A_307 : i32 to index
      %get3A_309 = arith.index_cast %add3A_306 : i32 to index
      %get3A_310 = arith.constant 48 : index
      %get3A_311 = tpu.vector_load %arg6[%get3A_308, %get3A_309, %get3A_310] {strides = array<i32>} : memref<2x200x64xf32, #tpu.memory_space<vmem>>, vector<1x1x16xf32>,
      %get3A_312 = vector.shape_cast %get3A_311 : vector<1x1x16xf32> to vector<16xf32>
      %add3A_313 = arith.addf %add3A_225, %get3A_312 : vector<16xf32>
      %mul3A_314 = arith.constant 4 : i32
      %mul3A_315 = arith.muli %mul3A_314, %scan3A_174 : i32
      %add3A_316 = arith.constant 3 : i32
      %add3A_317 = arith.addi %mul3A_315, %add3A_316 : i32
      %get3A_318 = arith.constant 0 : i32
      %get3A_319 = arith.index_cast %get3A_318 : i32 to index
      %get3A_320 = arith.index_cast %add3A_317 : i32 to index
      %get3A_321 = arith.constant 0 : index
      %get3A_322 = tpu.vector_load %arg6[%get3A_319, %get3A_320, %get3A_321] {strides = array<i32>} : memref<2x200x64xf32, #tpu.memory_space<vmem>>, vector<1x1x16xf32>,
      %get3A_323 = vector.shape_cast %get3A_322 : vector<1x1x16xf32> to vector<16xf32>
      %add3A_324 = arith.addf %add3A_236, %get3A_323 : vector<16xf32>
      %mul3A_325 = arith.constant 4 : i32
      %mul3A_326 = arith.muli %mul3A_325, %scan3A_174 : i32
      %add3A_327 = arith.constant 3 : i32
      %add3A_328 = arith.addi %mul3A_326, %add3A_327 : i32
      %get3A_329 = arith.constant 0 : i32
      %get3A_330 = arith.index_cast %get3A_329 : i32 to index
      %get3A_331 = arith.index_cast %add3A_328 : i32 to index
      %get3A_332 = arith.constant 16 : index
      %get3A_333 = tpu.vector_load %arg6[%get3A_330, %get3A_331, %get3A_332] {strides = array<i32>} : memref<2x200x64xf32, #tpu.memory_space<vmem>>, vector<1x1x16xf32>,
      %get3A_334 = vector.shape_cast %get3A_333 : vector<1x1x16xf32> to vector<16xf32>
      %add3A_335 = arith.addf %add3A_247, %get3A_334 : vector<16xf32>
      %mul3A_336 = arith.constant 4 : i32
      %mul3A_337 = arith.muli %mul3A_336, %scan3A_174 : i32
      %add3A_338 = arith.constant 3 : i32
      %add3A_339 = arith.addi %mul3A_337, %add3A_338 : i32
      %get3A_340 = arith.constant 0 : i32
      %get3A_341 = arith.index_cast %get3A_340 : i32 to index
      %get3A_342 = arith.index_cast %add3A_339 : i32 to index
      %get3A_343 = arith.constant 32 : index
      %get3A_344 = tpu.vector_load %arg6[%get3A_341, %get3A_342, %get3A_343] {strides = array<i32>} : memref<2x200x64xf32, #tpu.memory_space<vmem>>, vector<1x1x16xf32>,
      %get3A_345 = vector.shape_cast %get3A_344 : vector<1x1x16xf32> to vector<16xf32>
      %add3A_346 = arith.addf %add3A_258, %get3A_345 : vector<16xf32>
      %mul3A_347 = arith.constant 4 : i32
      %mul3A_348 = arith.muli %mul3A_347, %scan3A_174 : i32
      %add3A_349 = arith.constant 3 : i32
      %add3A_350 = arith.addi %mul3A_348, %add3A_349 : i32
      %get3A_351 = arith.constant 0 : i32
      %get3A_352 = arith.index_cast %get3A_351 : i32 to index
      %get3A_353 = arith.index_cast %add3A_350 : i32 to index
      %get3A_354 = arith.constant 48 : index
      %get3A_355 = tpu.vector_load %arg6[%get3A_352, %get3A_353, %get3A_354] {strides = array<i32>} : memref<2x200x64xf32, #tpu.memory_space<vmem>>, vector<1x1x16xf32>,
      %get3A_356 = vector.shape_cast %get3A_355 : vector<1x1x16xf32> to vector<16xf32>
      %add3A_357 = arith.addf %add3A_269, %get3A_356 : vector<16xf32>
      scf.yield %add3A_280, %add3A_291, %add3A_302, %add3A_313, %add3A_324, %add3A_335, %add3A_346, %add3A_357 : vector<16xf32>, vector<16xf32>, vector<16xf32>, vector<16xf32>, vector<16xf32>, vector<16xf32>, vector<16xf32>, vector<16xf32>
    }
    %scan3A_84 = arith.constant 50 : i32
    %add3A_85 = arith.addf %scan3A_83#0, %scan3A_83#4 : vector<16xf32>
    %swap3A = arith.constant 126 : i32
    %swap3A_86 = arith.index_cast %swap3A : i32 to index
    %swap3A_87 = arith.constant 0 : index
    %swap3A_88 = tpu.vector_load %arg7[%swap3A_86, %swap3A_87] {strides = array<i32>} : memref<128x64xf32, #tpu.memory_space<vmem>>, vector<1x16xf32>,
    %swap3A_89 = vector.shape_cast %swap3A_88 : vector<1x16xf32> to vector<16xf32>
    %swap3A_90 = vector.shape_cast %add3A_85 : vector<16xf32> to vector<1x16xf32>
    tpu.vector_store %arg7[%swap3A_86, %swap3A_87], %swap3A_90 {strides = array<i32>} : memref<128x64xf32, #tpu.memory_space<vmem>>, vector<1x16xf32>,
    %add3A_91 = arith.addf %scan3A_83#1, %scan3A_83#5 : vector<16xf32>
    %swap3A_92 = arith.constant 126 : i32
    %swap3A_93 = arith.index_cast %swap3A_92 : i32 to index
    %swap3A_94 = arith.constant 16 : index
    %swap3A_95 = tpu.vector_load %arg7[%swap3A_93, %swap3A_94] {strides = array<i32>} : memref<128x64xf32, #tpu.memory_space<vmem>>, vector<1x16xf32>,
    %swap3A_96 = vector.shape_cast %swap3A_95 : vector<1x16xf32> to vector<16xf32>
    %swap3A_97 = vector.shape_cast %add3A_91 : vector<16xf32> to vector<1x16xf32>
    tpu.vector_store %arg7[%swap3A_93, %swap3A_94], %swap3A_97 {strides = array<i32>} : memref<128x64xf32, #tpu.memory_space<vmem>>, vector<1x16xf32>,
    %add3A_98 = arith.addf %scan3A_83#2, %scan3A_83#6 : vector<16xf32>
    %swap3A_99 = arith.constant 126 : i32
    %swap3A_100 = arith.index_cast %swap3A_99 : i32 to index
    %swap3A_101 = arith.constant 32 : index
    %swap3A_102 = tpu.vector_load %arg7[%swap3A_100, %swap3A_101] {strides = array<i32>} : memref<128x64xf32, #tpu.memory_space<vmem>>, vector<1x16xf32>,
    %swap3A_103 = vector.shape_cast %swap3A_102 : vector<1x16xf32> to vector<16xf32>
    %swap3A_104 = vector.shape_cast %add3A_98 : vector<16xf32> to vector<1x16xf32>
    tpu.vector_store %arg7[%swap3A_100, %swap3A_101], %swap3A_104 {strides = array<i32>} : memref<128x64xf32, #tpu.memory_space<vmem>>, vector<1x16xf32>,
    %add3A_105 = arith.addf %scan3A_83#3, %scan3A_83#7 : vector<16xf32>
    %swap3A_106 = arith.constant 126 : i32
    %swap3A_107 = arith.index_cast %swap3A_106 : i32 to index
    %swap3A_108 = arith.constant 48 : index
    %swap3A_109 = tpu.vector_load %arg7[%swap3A_107, %swap3A_108] {strides = array<i32>} : memref<128x64xf32, #tpu.memory_space<vmem>>, vector<1x16xf32>,
    %swap3A_110 = vector.shape_cast %swap3A_109 : vector<1x16xf32> to vector<16xf32>
    %swap3A_111 = vector.shape_cast %add3A_105 : vector<16xf32> to vector<1x16xf32>
    tpu.vector_store %arg7[%swap3A_107, %swap3A_108], %swap3A_111 {strides = array<i32>} : memref<128x64xf32, #tpu.memory_space<vmem>>, vector<1x16xf32>,
    %dma_wait3A_112 = arith.constant 254 : i32
    %dma_wait3A_113 = arith.constant 1 : i32
    %dma_wait3A_114 = arith.constant 0 : i32
    %dma_wait3A_115 = arith.constant 0 : i32
    %dma_wait3A_116 = tpu.memref_slice %arg6[%dma_wait3A_113, %dma_wait3A_114, %dma_wait3A_115] : memref<2x200x64xf32, #tpu.memory_space<vmem>> -> memref<1x100x64xf32, #tpu.memory_space<vmem>>
    %dma_wait3A_117 = tpu.memref_squeeze %dma_wait3A_116 : memref<1x100x64xf32, #tpu.memory_space<vmem>> -> memref<100x64xf32, #tpu.memory_space<vmem>>
    %dma_wait3A_118 = arith.constant 0 : i32
    %dma_wait3A_119 = tpu.memref_slice %arg5[%dma_wait3A_112, %dma_wait3A_118] : memref<256x100xi32, #tpu.memory_space<vmem>> -> memref<1x100xi32, #tpu.memory_space<vmem>>
    %dma_wait3A_120 = tpu.memref_squeeze %dma_wait3A_119 : memref<1x100xi32, #tpu.memory_space<vmem>> -> memref<100xi32, #tpu.memory_space<vmem>>
    %dma_wait3A_121 = arith.constant 0 : i32
    %dma_wait3A_122 = arith.constant 0 : i32
    %dma_wait3A_123 = tpu.memref_slice %arg2[%dma_wait3A_121, %dma_wait3A_122] : memref<1000000x64xf32, #tpu.memory_space<hbm>> -> memref<1000000x64xf32, #tpu.memory_space<hbm>>
    tpu.wait_indirect_dma semaphore(%arg9 : memref<!tpu.dma_semaphore, #tpu.memory_space<semaphore_mem>>) src(%dma_wait3A_123 : memref<1000000x64xf32, #tpu.memory_space<hbm>>) dst(%dma_wait3A_117 : memref<100x64xf32, #tpu.memory_space<vmem>>)
    %dma_wait3A_124 = arith.constant 255 : i32
    %dma_wait3A_125 = arith.constant 1 : i32
    %dma_wait3A_126 = arith.constant 100 : i32
    %dma_wait3A_127 = arith.constant 0 : i32
    %dma_wait3A_128 = tpu.memref_slice %arg6[%dma_wait3A_125, %dma_wait3A_126, %dma_wait3A_127] : memref<2x200x64xf32, #tpu.memory_space<vmem>> -> memref<1x100x64xf32, #tpu.memory_space<vmem>>
    %dma_wait3A_129 = tpu.memref_squeeze %dma_wait3A_128 : memref<1x100x64xf32, #tpu.memory_space<vmem>> -> memref<100x64xf32, #tpu.memory_space<vmem>>
    %dma_wait3A_130 = arith.constant 0 : i32
    %dma_wait3A_131 = tpu.memref_slice %arg5[%dma_wait3A_124, %dma_wait3A_130] : memref<256x100xi32, #tpu.memory_space<vmem>> -> memref<1x100xi32, #tpu.memory_space<vmem>>
    %dma_wait3A_132 = tpu.memref_squeeze %dma_wait3A_131 : memref<1x100xi32, #tpu.memory_space<vmem>> -> memref<100xi32, #tpu.memory_space<vmem>>
    %dma_wait3A_133 = arith.constant 0 : i32
    %dma_wait3A_134 = arith.constant 0 : i32
    %dma_wait3A_135 = tpu.memref_slice %arg2[%dma_wait3A_133, %dma_wait3A_134] : memref<1000000x64xf32, #tpu.memory_space<hbm>> -> memref<1000000x64xf32, #tpu.memory_space<hbm>>
    tpu.wait_indirect_dma semaphore(%arg9 : memref<!tpu.dma_semaphore, #tpu.memory_space<semaphore_mem>>) src(%dma_wait3A_135 : memref<1000000x64xf32, #tpu.memory_space<hbm>>) dst(%dma_wait3A_129 : memref<100x64xf32, #tpu.memory_space<vmem>>)
    %broadcast_in_dim3A_136 = arith.constant 0.000000e+00 : f32
    %broadcast_in_dim3A_137 = vector.broadcast %broadcast_in_dim3A_136 : f32 to vector<16xf32>
    %scan3A_138 = arith.constant 0 : i32
    %scan3A_139 = arith.constant 50 : i32
    %scan3A_140 = arith.addi %scan3A_138, %scan3A_139 : i32
    %scan3A_141 = arith.constant 1 : i32
    %scan3A_142:8 = scf.for %scan3A_174 = %scan3A_138 to %scan3A_140 step %scan3A_141 iter_args(%scan3A_175 = %broadcast_in_dim3A_137, %scan3A_176 = %broadcast_in_dim3A_137, %scan3A_177 = %broadcast_in_dim3A_137, %scan3A_178 = %broadcast_in_dim3A_137, %scan3A_179 = %broadcast_in_dim3A_137, %scan3A_180 = %broadcast_in_dim3A_137, %scan3A_181 = %broadcast_in_dim3A_137, %scan3A_182 = %broadcast_in_dim3A_137) -> (vector<16xf32>, vector<16xf32>, vector<16xf32>, vector<16xf32>, vector<16xf32>, vector<16xf32>, vector<16xf32>, vector<16xf32>)  : i32 {
      %mul3A_183 = arith.constant 4 : i32
      %mul3A_184 = arith.muli %mul3A_183, %scan3A_174 : i32
      %add3A_185 = arith.constant 0 : i32
      %add3A_186 = arith.addi %mul3A_184, %add3A_185 : i32
      %get3A = arith.constant 1 : i32
      %get3A_187 = arith.index_cast %get3A : i32 to index
      %get3A_188 = arith.index_cast %add3A_186 : i32 to index
      %get3A_189 = arith.constant 0 : index
      %get3A_190 = tpu.vector_load %arg6[%get3A_187, %get3A_188, %get3A_189] {strides = array<i32>} : memref<2x200x64xf32, #tpu.memory_space<vmem>>, vector<1x1x16xf32>,
      %get3A_191 = vector.shape_cast %get3A_190 : vector<1x1x16xf32> to vector<16xf32>
      %add3A_192 = arith.addf %scan3A_175, %get3A_191 : vector<16xf32>
      %mul3A_193 = arith.constant 4 : i32
      %mul3A_194 = arith.muli %mul3A_193, %scan3A_174 : i32
      %add3A_195 = arith.constant 0 : i32
      %add3A_196 = arith.addi %mul3A_194, %add3A_195 : i32
      %get3A_197 = arith.constant 1 : i32
      %get3A_198 = arith.index_cast %get3A_197 : i32 to index
      %get3A_199 = arith.index_cast %add3A_196 : i32 to index
      %get3A_200 = arith.constant 16 : index
      %get3A_201 = tpu.vector_load %arg6[%get3A_198, %get3A_199, %get3A_200] {strides = array<i32>} : memref<2x200x64xf32, #tpu.memory_space<vmem>>, vector<1x1x16xf32>,
      %get3A_202 = vector.shape_cast %get3A_201 : vector<1x1x16xf32> to vector<16xf32>
      %add3A_203 = arith.addf %scan3A_176, %get3A_202 : vector<16xf32>
      %mul3A_204 = arith.constant 4 : i32
      %mul3A_205 = arith.muli %mul3A_204, %scan3A_174 : i32
      %add3A_206 = arith.constant 0 : i32
      %add3A_207 = arith.addi %mul3A_205, %add3A_206 : i32
      %get3A_208 = arith.constant 1 : i32
      %get3A_209 = arith.index_cast %get3A_208 : i32 to index
      %get3A_210 = arith.index_cast %add3A_207 : i32 to index
      %get3A_211 = arith.constant 32 : index
      %get3A_212 = tpu.vector_load %arg6[%get3A_209, %get3A_210, %get3A_211] {strides = array<i32>} : memref<2x200x64xf32, #tpu.memory_space<vmem>>, vector<1x1x16xf32>,
      %get3A_213 = vector.shape_cast %get3A_212 : vector<1x1x16xf32> to vector<16xf32>
      %add3A_214 = arith.addf %scan3A_177, %get3A_213 : vector<16xf32>
      %mul3A_215 = arith.constant 4 : i32
      %mul3A_216 = arith.muli %mul3A_215, %scan3A_174 : i32
      %add3A_217 = arith.constant 0 : i32
      %add3A_218 = arith.addi %mul3A_216, %add3A_217 : i32
      %get3A_219 = arith.constant 1 : i32
      %get3A_220 = arith.index_cast %get3A_219 : i32 to index
      %get3A_221 = arith.index_cast %add3A_218 : i32 to index
      %get3A_222 = arith.constant 48 : index
      %get3A_223 = tpu.vector_load %arg6[%get3A_220, %get3A_221, %get3A_222] {strides = array<i32>} : memref<2x200x64xf32, #tpu.memory_space<vmem>>, vector<1x1x16xf32>,
      %get3A_224 = vector.shape_cast %get3A_223 : vector<1x1x16xf32> to vector<16xf32>
      %add3A_225 = arith.addf %scan3A_178, %get3A_224 : vector<16xf32>
      %mul3A_226 = arith.constant 4 : i32
      %mul3A_227 = arith.muli %mul3A_226, %scan3A_174 : i32
      %add3A_228 = arith.constant 1 : i32
      %add3A_229 = arith.addi %mul3A_227, %add3A_228 : i32
      %get3A_230 = arith.constant 1 : i32
      %get3A_231 = arith.index_cast %get3A_230 : i32 to index
      %get3A_232 = arith.index_cast %add3A_229 : i32 to index
      %get3A_233 = arith.constant 0 : index
      %get3A_234 = tpu.vector_load %arg6[%get3A_231, %get3A_232, %get3A_233] {strides = array<i32>} : memref<2x200x64xf32, #tpu.memory_space<vmem>>, vector<1x1x16xf32>,
      %get3A_235 = vector.shape_cast %get3A_234 : vector<1x1x16xf32> to vector<16xf32>
      %add3A_236 = arith.addf %scan3A_179, %get3A_235 : vector<16xf32>
      %mul3A_237 = arith.constant 4 : i32
      %mul3A_238 = arith.muli %mul3A_237, %scan3A_174 : i32
      %add3A_239 = arith.constant 1 : i32
      %add3A_240 = arith.addi %mul3A_238, %add3A_239 : i32
      %get3A_241 = arith.constant 1 : i32
      %get3A_242 = arith.index_cast %get3A_241 : i32 to index
      %get3A_243 = arith.index_cast %add3A_240 : i32 to index
      %get3A_244 = arith.constant 16 : index
      %get3A_245 = tpu.vector_load %arg6[%get3A_242, %get3A_243, %get3A_244] {strides = array<i32>} : memref<2x200x64xf32, #tpu.memory_space<vmem>>, vector<1x1x16xf32>,
      %get3A_246 = vector.shape_cast %get3A_245 : vector<1x1x16xf32> to vector<16xf32>
      %add3A_247 = arith.addf %scan3A_180, %get3A_246 : vector<16xf32>
      %mul3A_248 = arith.constant 4 : i32
      %mul3A_249 = arith.muli %mul3A_248, %scan3A_174 : i32
      %add3A_250 = arith.constant 1 : i32
      %add3A_251 = arith.addi %mul3A_249, %add3A_250 : i32
      %get3A_252 = arith.constant 1 : i32
      %get3A_253 = arith.index_cast %get3A_252 : i32 to index
      %get3A_254 = arith.index_cast %add3A_251 : i32 to index
      %get3A_255 = arith.constant 32 : index
      %get3A_256 = tpu.vector_load %arg6[%get3A_253, %get3A_254, %get3A_255] {strides = array<i32>} : memref<2x200x64xf32, #tpu.memory_space<vmem>>, vector<1x1x16xf32>,
      %get3A_257 = vector.shape_cast %get3A_256 : vector<1x1x16xf32> to vector<16xf32>
      %add3A_258 = arith.addf %scan3A_181, %get3A_257 : vector<16xf32>
      %mul3A_259 = arith.constant 4 : i32
      %mul3A_260 = arith.muli %mul3A_259, %scan3A_174 : i32
      %add3A_261 = arith.constant 1 : i32
      %add3A_262 = arith.addi %mul3A_260, %add3A_261 : i32
      %get3A_263 = arith.constant 1 : i32
      %get3A_264 = arith.index_cast %get3A_263 : i32 to index
      %get3A_265 = arith.index_cast %add3A_262 : i32 to index
      %get3A_266 = arith.constant 48 : index
      %get3A_267 = tpu.vector_load %arg6[%get3A_264, %get3A_265, %get3A_266] {strides = array<i32>} : memref<2x200x64xf32, #tpu.memory_space<vmem>>, vector<1x1x16xf32>,
      %get3A_268 = vector.shape_cast %get3A_267 : vector<1x1x16xf32> to vector<16xf32>
      %add3A_269 = arith.addf %scan3A_182, %get3A_268 : vector<16xf32>
      %mul3A_270 = arith.constant 4 : i32
      %mul3A_271 = arith.muli %mul3A_270, %scan3A_174 : i32
      %add3A_272 = arith.constant 2 : i32
      %add3A_273 = arith.addi %mul3A_271, %add3A_272 : i32
      %get3A_274 = arith.constant 1 : i32
      %get3A_275 = arith.index_cast %get3A_274 : i32 to index
      %get3A_276 = arith.index_cast %add3A_273 : i32 to index
      %get3A_277 = arith.constant 0 : index
      %get3A_278 = tpu.vector_load %arg6[%get3A_275, %get3A_276, %get3A_277] {strides = array<i32>} : memref<2x200x64xf32, #tpu.memory_space<vmem>>, vector<1x1x16xf32>,
      %get3A_279 = vector.shape_cast %get3A_278 : vector<1x1x16xf32> to vector<16xf32>
      %add3A_280 = arith.addf %add3A_192, %get3A_279 : vector<16xf32>
      %mul3A_281 = arith.constant 4 : i32
      %mul3A_282 = arith.muli %mul3A_281, %scan3A_174 : i32
      %add3A_283 = arith.constant 2 : i32
      %add3A_284 = arith.addi %mul3A_282, %add3A_283 : i32
      %get3A_285 = arith.constant 1 : i32
      %get3A_286 = arith.index_cast %get3A_285 : i32 to index
      %get3A_287 = arith.index_cast %add3A_284 : i32 to index
      %get3A_288 = arith.constant 16 : index
      %get3A_289 = tpu.vector_load %arg6[%get3A_286, %get3A_287, %get3A_288] {strides = array<i32>} : memref<2x200x64xf32, #tpu.memory_space<vmem>>, vector<1x1x16xf32>,
      %get3A_290 = vector.shape_cast %get3A_289 : vector<1x1x16xf32> to vector<16xf32>
      %add3A_291 = arith.addf %add3A_203, %get3A_290 : vector<16xf32>
      %mul3A_292 = arith.constant 4 : i32
      %mul3A_293 = arith.muli %mul3A_292, %scan3A_174 : i32
      %add3A_294 = arith.constant 2 : i32
      %add3A_295 = arith.addi %mul3A_293, %add3A_294 : i32
      %get3A_296 = arith.constant 1 : i32
      %get3A_297 = arith.index_cast %get3A_296 : i32 to index
      %get3A_298 = arith.index_cast %add3A_295 : i32 to index
      %get3A_299 = arith.constant 32 : index
      %get3A_300 = tpu.vector_load %arg6[%get3A_297, %get3A_298, %get3A_299] {strides = array<i32>} : memref<2x200x64xf32, #tpu.memory_space<vmem>>, vector<1x1x16xf32>,
      %get3A_301 = vector.shape_cast %get3A_300 : vector<1x1x16xf32> to vector<16xf32>
      %add3A_302 = arith.addf %add3A_214, %get3A_301 : vector<16xf32>
      %mul3A_303 = arith.constant 4 : i32
      %mul3A_304 = arith.muli %mul3A_303, %scan3A_174 : i32
      %add3A_305 = arith.constant 2 : i32
      %add3A_306 = arith.addi %mul3A_304, %add3A_305 : i32
      %get3A_307 = arith.constant 1 : i32
      %get3A_308 = arith.index_cast %get3A_307 : i32 to index
      %get3A_309 = arith.index_cast %add3A_306 : i32 to index
      %get3A_310 = arith.constant 48 : index
      %get3A_311 = tpu.vector_load %arg6[%get3A_308, %get3A_309, %get3A_310] {strides = array<i32>} : memref<2x200x64xf32, #tpu.memory_space<vmem>>, vector<1x1x16xf32>,
      %get3A_312 = vector.shape_cast %get3A_311 : vector<1x1x16xf32> to vector<16xf32>
      %add3A_313 = arith.addf %add3A_225, %get3A_312 : vector<16xf32>
      %mul3A_314 = arith.constant 4 : i32
      %mul3A_315 = arith.muli %mul3A_314, %scan3A_174 : i32
      %add3A_316 = arith.constant 3 : i32
      %add3A_317 = arith.addi %mul3A_315, %add3A_316 : i32
      %get3A_318 = arith.constant 1 : i32
      %get3A_319 = arith.index_cast %get3A_318 : i32 to index
      %get3A_320 = arith.index_cast %add3A_317 : i32 to index
      %get3A_321 = arith.constant 0 : index
      %get3A_322 = tpu.vector_load %arg6[%get3A_319, %get3A_320, %get3A_321] {strides = array<i32>} : memref<2x200x64xf32, #tpu.memory_space<vmem>>, vector<1x1x16xf32>,
      %get3A_323 = vector.shape_cast %get3A_322 : vector<1x1x16xf32> to vector<16xf32>
      %add3A_324 = arith.addf %add3A_236, %get3A_323 : vector<16xf32>
      %mul3A_325 = arith.constant 4 : i32
      %mul3A_326 = arith.muli %mul3A_325, %scan3A_174 : i32
      %add3A_327 = arith.constant 3 : i32
      %add3A_328 = arith.addi %mul3A_326, %add3A_327 : i32
      %get3A_329 = arith.constant 1 : i32
      %get3A_330 = arith.index_cast %get3A_329 : i32 to index
      %get3A_331 = arith.index_cast %add3A_328 : i32 to index
      %get3A_332 = arith.constant 16 : index
      %get3A_333 = tpu.vector_load %arg6[%get3A_330, %get3A_331, %get3A_332] {strides = array<i32>} : memref<2x200x64xf32, #tpu.memory_space<vmem>>, vector<1x1x16xf32>,
      %get3A_334 = vector.shape_cast %get3A_333 : vector<1x1x16xf32> to vector<16xf32>
      %add3A_335 = arith.addf %add3A_247, %get3A_334 : vector<16xf32>
      %mul3A_336 = arith.constant 4 : i32
      %mul3A_337 = arith.muli %mul3A_336, %scan3A_174 : i32
      %add3A_338 = arith.constant 3 : i32
      %add3A_339 = arith.addi %mul3A_337, %add3A_338 : i32
      %get3A_340 = arith.constant 1 : i32
      %get3A_341 = arith.index_cast %get3A_340 : i32 to index
      %get3A_342 = arith.index_cast %add3A_339 : i32 to index
      %get3A_343 = arith.constant 32 : index
      %get3A_344 = tpu.vector_load %arg6[%get3A_341, %get3A_342, %get3A_343] {strides = array<i32>} : memref<2x200x64xf32, #tpu.memory_space<vmem>>, vector<1x1x16xf32>,
      %get3A_345 = vector.shape_cast %get3A_344 : vector<1x1x16xf32> to vector<16xf32>
      %add3A_346 = arith.addf %add3A_258, %get3A_345 : vector<16xf32>
      %mul3A_347 = arith.constant 4 : i32
      %mul3A_348 = arith.muli %mul3A_347, %scan3A_174 : i32
      %add3A_349 = arith.constant 3 : i32
      %add3A_350 = arith.addi %mul3A_348, %add3A_349 : i32
      %get3A_351 = arith.constant 1 : i32
      %get3A_352 = arith.index_cast %get3A_351 : i32 to index
      %get3A_353 = arith.index_cast %add3A_350 : i32 to index
      %get3A_354 = arith.constant 48 : index
      %get3A_355 = tpu.vector_load %arg6[%get3A_352, %get3A_353, %get3A_354] {strides = array<i32>} : memref<2x200x64xf32, #tpu.memory_space<vmem>>, vector<1x1x16xf32>,
      %get3A_356 = vector.shape_cast %get3A_355 : vector<1x1x16xf32> to vector<16xf32>
      %add3A_357 = arith.addf %add3A_269, %get3A_356 : vector<16xf32>
      scf.yield %add3A_280, %add3A_291, %add3A_302, %add3A_313, %add3A_324, %add3A_335, %add3A_346, %add3A_357 : vector<16xf32>, vector<16xf32>, vector<16xf32>, vector<16xf32>, vector<16xf32>, vector<16xf32>, vector<16xf32>, vector<16xf32>
    }
    %scan3A_143 = arith.constant 50 : i32
    %add3A_144 = arith.addf %scan3A_142#0, %scan3A_142#4 : vector<16xf32>
    %swap3A_145 = arith.constant 127 : i32
    %swap3A_146 = arith.index_cast %swap3A_145 : i32 to index
    %swap3A_147 = arith.constant 0 : index
    %swap3A_148 = tpu.vector_load %arg7[%swap3A_146, %swap3A_147] {strides = array<i32>} : memref<128x64xf32, #tpu.memory_space<vmem>>, vector<1x16xf32>,
    %swap3A_149 = vector.shape_cast %swap3A_148 : vector<1x16xf32> to vector<16xf32>
    %swap3A_150 = vector.shape_cast %add3A_144 : vector<16xf32> to vector<1x16xf32>
    tpu.vector_store %arg7[%swap3A_146, %swap3A_147], %swap3A_150 {strides = array<i32>} : memref<128x64xf32, #tpu.memory_space<vmem>>, vector<1x16xf32>,
    %add3A_151 = arith.addf %scan3A_142#1, %scan3A_142#5 : vector<16xf32>
    %swap3A_152 = arith.constant 127 : i32
    %swap3A_153 = arith.index_cast %swap3A_152 : i32 to index
    %swap3A_154 = arith.constant 16 : index
    %swap3A_155 = tpu.vector_load %arg7[%swap3A_153, %swap3A_154] {strides = array<i32>} : memref<128x64xf32, #tpu.memory_space<vmem>>, vector<1x16xf32>,
    %swap3A_156 = vector.shape_cast %swap3A_155 : vector<1x16xf32> to vector<16xf32>
    %swap3A_157 = vector.shape_cast %add3A_151 : vector<16xf32> to vector<1x16xf32>
    tpu.vector_store %arg7[%swap3A_153, %swap3A_154], %swap3A_157 {strides = array<i32>} : memref<128x64xf32, #tpu.memory_space<vmem>>, vector<1x16xf32>,
    %add3A_158 = arith.addf %scan3A_142#2, %scan3A_142#6 : vector<16xf32>
    %swap3A_159 = arith.constant 127 : i32
    %swap3A_160 = arith.index_cast %swap3A_159 : i32 to index
    %swap3A_161 = arith.constant 32 : index
    %swap3A_162 = tpu.vector_load %arg7[%swap3A_160, %swap3A_161] {strides = array<i32>} : memref<128x64xf32, #tpu.memory_space<vmem>>, vector<1x16xf32>,
    %swap3A_163 = vector.shape_cast %swap3A_162 : vector<1x16xf32> to vector<16xf32>
    %swap3A_164 = vector.shape_cast %add3A_158 : vector<16xf32> to vector<1x16xf32>
    tpu.vector_store %arg7[%swap3A_160, %swap3A_161], %swap3A_164 {strides = array<i32>} : memref<128x64xf32, #tpu.memory_space<vmem>>, vector<1x16xf32>,
    %add3A_165 = arith.addf %scan3A_142#3, %scan3A_142#7 : vector<16xf32>
    %swap3A_166 = arith.constant 127 : i32
    %swap3A_167 = arith.index_cast %swap3A_166 : i32 to index
    %swap3A_168 = arith.constant 48 : index
    %swap3A_169 = tpu.vector_load %arg7[%swap3A_167, %swap3A_168] {strides = array<i32>} : memref<128x64xf32, #tpu.memory_space<vmem>>, vector<1x16xf32>,
    %swap3A_170 = vector.shape_cast %swap3A_169 : vector<1x16xf32> to vector<16xf32>
    %swap3A_171 = vector.shape_cast %add3A_165 : vector<16xf32> to vector<1x16xf32>
    tpu.vector_store %arg7[%swap3A_167, %swap3A_168], %swap3A_171 {strides = array<i32>} : memref<128x64xf32, #tpu.memory_space<vmem>>, vector<1x16xf32>,
    %mul3A_172 = arith.constant 128 : i32
    %mul3A_173 = arith.muli %add3A, %mul3A_172 : i32
    "tpu.region"() ({
      %run_scoped3A = tpu.sem_alloc : memref<!tpu.dma_semaphore, #tpu.memory_space<semaphore_mem>>
      %dma_start3A_174 = arith.constant 0 : i32
      %dma_start3A_175 = tpu.memref_slice %arg4[%mul3A_173, %dma_start3A_174] : memref<4096x64xf32, #tpu.memory_space<hbm>> -> memref<128x64xf32, #tpu.memory_space<hbm>>
      %dma_start3A_176 = arith.constant 0 : i32
      %dma_start3A_177 = tpu.memref_slice %arg4[%mul3A_173, %dma_start3A_176] : memref<4096x64xf32, #tpu.memory_space<hbm>> -> memref<128x64xf32, #tpu.memory_space<hbm>>
      tpu.enqueue_dma source(%arg7 : memref<128x64xf32, #tpu.memory_space<vmem>>) target(%dma_start3A_177 : memref<128x64xf32, #tpu.memory_space<hbm>>) target_semaphore(%run_scoped3A : memref<!tpu.dma_semaphore, #tpu.memory_space<semaphore_mem>>)
      %dma_wait3A_178 = arith.constant 0 : i32
      %dma_wait3A_179 = tpu.memref_slice %arg4[%mul3A_173, %dma_wait3A_178] : memref<4096x64xf32, #tpu.memory_space<hbm>> -> memref<128x64xf32, #tpu.memory_space<hbm>>
      %dma_wait3A_180 = arith.constant 0 : i32
      %dma_wait3A_181 = tpu.memref_slice %arg4[%mul3A_173, %dma_wait3A_180] : memref<4096x64xf32, #tpu.memory_space<hbm>> -> memref<128x64xf32, #tpu.memory_space<hbm>>
      tpu.wait_dma2 semaphore(%run_scoped3A : memref<!tpu.dma_semaphore, #tpu.memory_space<semaphore_mem>>) src(%arg7 : memref<128x64xf32, #tpu.memory_space<vmem>>) dst(%dma_wait3A_181 : memref<128x64xf32, #tpu.memory_space<hbm>>)
      tpu.yield
    }) : () -> ()
    return
  }
}

module attributes {stable_mosaic.version = 14 : i64} {
  func.func @_video_body(%arg0: i32, %arg1: memref<3072x512xf32, #tpu.memory_space<vmem>>, %arg2: memref<200x512xi32, #tpu.memory_space<vmem>>, %arg3: memref<64x3072xf32, #tpu.memory_space<vmem>>, %arg4: memref<64x1xf32, #tpu.memory_space<vmem>>, %arg5: memref<64x512xf32, #tpu.memory_space<vmem>>, %arg6: memref<1x512xf32, #tpu.memory_space<vmem>>) attributes {dimension_semantics = [#tpu.dimension_semantics<arbitrary>], iteration_bounds = array<i64: 8>, scalar_prefetch = 0 : i64, scratch_operands = 0 : i64, tpu.core_type = #tpu.core_type<tc>, window_params = [{transform_indices = @transform_0, window_bounds = array<i64: 3072, 512>}, {transform_indices = @transform_1, window_bounds = array<i64: 200, 512>}, {pipeline_mode = #tpu.pipeline_mode<synchronous>, transform_indices = @transform_2, window_bounds = array<i64: 64, 3072>}, {pipeline_mode = #tpu.pipeline_mode<synchronous>, transform_indices = @transform_3, window_bounds = array<i64: 64, 1>}, {transform_indices = @transform_4, window_bounds = array<i64: 64, 512>}, {transform_indices = @transform_5, window_bounds = array<i64: 1, 512>}]} {
    %get3A = arith.constant 0 : index
    %get3A_0 = arith.constant 0 : index
    %get3A_1 = vector.load %arg3[%get3A, %get3A_0] : memref<64x3072xf32, #tpu.memory_space<vmem>>, vector<64x3072xf32>
    %get3A_2 = arith.constant 0 : index
    %get3A_3 = arith.constant 0 : index
    %get3A_4 = vector.load %arg1[%get3A_2, %get3A_3] : memref<3072x512xf32, #tpu.memory_space<vmem>>, vector<3072x512xf32>
    %dot_general3A = arith.constant dense<0.000000e+00> : vector<64x512xf32>
    %dot_general3A_5 = tpu.matmul %get3A_1, %get3A_4, %dot_general3A {dimension_numbers = #tpu.dot_dimension_numbers<[1], [0], [0], [1], [0, 0, 1, 1], [], []>, transpose_lhs_hint = false} : vector<64x3072xf32>, vector<3072x512xf32>, vector<64x512xf32> -> vector<64x512xf32>
    %get3A_6 = arith.constant 0 : index
    %get3A_7 = arith.constant 0 : index
    %get3A_8 = vector.load %arg4[%get3A_6, %get3A_7] : memref<64x1xf32, #tpu.memory_space<vmem>>, vector<64x1xf32>
    %add3A = vector.broadcast %get3A_8 : vector<64x1xf32> to vector<64x512xf32>
    %add3A_9 = arith.addf %dot_general3A_5, %add3A : vector<64x512xf32>
    %swap3A = arith.constant 0 : index
    %swap3A_10 = arith.constant 0 : index
    %swap3A_11 = vector.load %arg5[%swap3A, %swap3A_10] : memref<64x512xf32, #tpu.memory_space<vmem>>, vector<64x512xf32>
    tpu.vector_store %arg5[%swap3A, %swap3A_10], %add3A_9 {strides = array<i32>} : memref<64x512xf32, #tpu.memory_space<vmem>>, vector<64x512xf32>,
    %get3A_12 = arith.constant 0 : index
    %get3A_13 = arith.constant 0 : index
    %get3A_14 = vector.load %arg2[%get3A_12, %get3A_13] : memref<200x512xi32, #tpu.memory_space<vmem>>, vector<200x512xi32>
    %ne3A = arith.constant 0 : i32
    %ne3A_15 = vector.broadcast %ne3A : i32 to vector<200x512xi32>
    %ne3A_16 = arith.cmpi ne, %get3A_14, %ne3A_15 : vector<200x512xi32>
    %convert_element_type3A = arith.extui %ne3A_16 : vector<200x512xi1> to vector<200x512xi32>
    %convert_element_type3A_17 = arith.sitofp %convert_element_type3A : vector<200x512xi32> to vector<200x512xf32>
    %reduce_sum3A = arith.constant dense<0.000000e+00> : vector<512xf32>
    %reduce_sum3A_18 = vector.multi_reduction <add>, %convert_element_type3A_17, %reduce_sum3A [0] : vector<200x512xf32> to vector<512xf32>
    %broadcast_in_dim3A = vector.shape_cast %reduce_sum3A_18 : vector<512xf32> to vector<1x512xf32>
    %max3A = arith.constant 1.000000e+00 : f32
    %max3A_19 = vector.broadcast %max3A : f32 to vector<1x512xf32>
    %max3A_20 = arith.maximumf %broadcast_in_dim3A, %max3A_19 : vector<1x512xf32>
    %swap3A_21 = arith.constant 0 : index
    %swap3A_22 = arith.constant 0 : index
    %swap3A_23 = vector.load %arg6[%swap3A_21, %swap3A_22] : memref<1x512xf32, #tpu.memory_space<vmem>>, vector<1x512xf32>
    tpu.vector_store %arg6[%swap3A_21, %swap3A_22], %max3A_20 {strides = array<i32>} : memref<1x512xf32, #tpu.memory_space<vmem>>, vector<1x512xf32>,
    return
  }
  func.func @transform_0(%arg0: i32) -> (i32, i32) {
    %c0_i32 = arith.constant 0 : i32
    %c0_i32_0 = arith.constant 0 : i32
    return %c0_i32, %arg0 : i32, i32
  }
  func.func @transform_1(%arg0: i32) -> (i32, i32) {
    %c0_i32 = arith.constant 0 : i32
    %c0_i32_0 = arith.constant 0 : i32
    return %c0_i32, %arg0 : i32, i32
  }
  func.func @transform_2(%arg0: i32) -> (i32, i32) {
    %c0_i32 = arith.constant 0 : i32
    %c0_i32_0 = arith.constant 0 : i32
    %c0_i32_1 = arith.constant 0 : i32
    return %c0_i32, %c0_i32_0 : i32, i32
  }
  func.func @transform_3(%arg0: i32) -> (i32, i32) {
    %c0_i32 = arith.constant 0 : i32
    %c0_i32_0 = arith.constant 0 : i32
    %c0_i32_1 = arith.constant 0 : i32
    return %c0_i32, %c0_i32_0 : i32, i32
  }
  func.func @transform_4(%arg0: i32) -> (i32, i32) {
    %c0_i32 = arith.constant 0 : i32
    %c0_i32_0 = arith.constant 0 : i32
    return %c0_i32, %arg0 : i32, i32
  }
  func.func @transform_5(%arg0: i32) -> (i32, i32) {
    %c0_i32 = arith.constant 0 : i32
    %c0_i32_0 = arith.constant 0 : i32
    return %c0_i32, %arg0 : i32, i32
  }
}

module attributes {stable_mosaic.version = 14 : i64} {
  func.func @_final_body(%arg0: i32, %arg1: memref<64x4096xf32, #tpu.memory_space<vmem>>, %arg2: memref<64x4096xf32, #tpu.memory_space<vmem>>, %arg3: memref<1x4096xf32, #tpu.memory_space<vmem>>, %arg4: memref<64x64xf32, #tpu.memory_space<vmem>>, %arg5: memref<64x1xf32, #tpu.memory_space<vmem>>, %arg6: memref<1x1xf32, #tpu.memory_space<vmem>>) attributes {dimension_semantics = [#tpu.dimension_semantics<arbitrary>], iteration_bounds = array<i64: 1>, scalar_prefetch = 0 : i64, scratch_operands = 0 : i64, tpu.core_type = #tpu.core_type<tc>, window_params = [{pipeline_mode = #tpu.pipeline_mode<synchronous>, transform_indices = @transform_0, window_bounds = array<i64: 64, 4096>}, {pipeline_mode = #tpu.pipeline_mode<synchronous>, transform_indices = @transform_1, window_bounds = array<i64: 64, 4096>}, {pipeline_mode = #tpu.pipeline_mode<synchronous>, transform_indices = @transform_2, window_bounds = array<i64: 1, 4096>}, {pipeline_mode = #tpu.pipeline_mode<synchronous>, transform_indices = @transform_3, window_bounds = array<i64: 64, 64>}, {pipeline_mode = #tpu.pipeline_mode<synchronous>, transform_indices = @transform_4, window_bounds = array<i64: 64, 1>}, {pipeline_mode = #tpu.pipeline_mode<synchronous>, transform_indices = @transform_5, window_bounds = array<i64: 1, 1>}]} {
    %get3A = arith.constant 0 : index
    %get3A_0 = arith.constant 0 : index
    %get3A_1 = vector.load %arg1[%get3A, %get3A_0] : memref<64x4096xf32, #tpu.memory_space<vmem>>, vector<64x4096xf32>
    %get3A_2 = arith.constant 0 : index
    %get3A_3 = arith.constant 0 : index
    %get3A_4 = vector.load %arg3[%get3A_2, %get3A_3] : memref<1x4096xf32, #tpu.memory_space<vmem>>, vector<1x4096xf32>
    %div3A = vector.broadcast %get3A_4 : vector<1x4096xf32> to vector<64x4096xf32>
    %div3A_5 = arith.divf %get3A_1, %div3A : vector<64x4096xf32>
    %get3A_6 = arith.constant 0 : index
    %get3A_7 = arith.constant 0 : index
    %get3A_8 = vector.load %arg4[%get3A_6, %get3A_7] : memref<64x64xf32, #tpu.memory_space<vmem>>, vector<64x64xf32>
    %dot_general3A = arith.constant dense<0.000000e+00> : vector<64x4096xf32>
    %dot_general3A_9 = tpu.matmul %get3A_8, %div3A_5, %dot_general3A {dimension_numbers = #tpu.dot_dimension_numbers<[1], [0], [0], [1], [0, 0, 1, 1], [], []>, transpose_lhs_hint = false} : vector<64x64xf32>, vector<64x4096xf32>, vector<64x4096xf32> -> vector<64x4096xf32>
    %get3A_10 = arith.constant 0 : index
    %get3A_11 = arith.constant 0 : index
    %get3A_12 = vector.load %arg5[%get3A_10, %get3A_11] : memref<64x1xf32, #tpu.memory_space<vmem>>, vector<64x1xf32>
    %add3A = vector.broadcast %get3A_12 : vector<64x1xf32> to vector<64x4096xf32>
    %add3A_13 = arith.addf %dot_general3A_9, %add3A : vector<64x4096xf32>
    %get3A_14 = arith.constant 0 : index
    %get3A_15 = arith.constant 0 : index
    %get3A_16 = vector.load %arg2[%get3A_14, %get3A_15] : memref<64x4096xf32, #tpu.memory_space<vmem>>, vector<64x4096xf32>
    %mul3A = arith.mulf %get3A_16, %get3A_16 : vector<64x4096xf32>
    %reduce_sum3A = arith.constant dense<0.000000e+00> : vector<4096xf32>
    %reduce_sum3A_17 = vector.multi_reduction <add>, %mul3A, %reduce_sum3A [0] : vector<64x4096xf32> to vector<4096xf32>
    %broadcast_in_dim3A = vector.shape_cast %reduce_sum3A_17 : vector<4096xf32> to vector<1x4096xf32>
    %sqrt3A = math.sqrt %broadcast_in_dim3A : vector<1x4096xf32>
    %max3A = arith.constant 9.99999996E-13 : f32
    %max3A_18 = vector.broadcast %max3A : f32 to vector<1x4096xf32>
    %max3A_19 = arith.maximumf %sqrt3A, %max3A_18 : vector<1x4096xf32>
    %div3A_20 = vector.broadcast %max3A_19 : vector<1x4096xf32> to vector<64x4096xf32>
    %div3A_21 = arith.divf %get3A_16, %div3A_20 : vector<64x4096xf32>
    %mul3A_22 = arith.mulf %add3A_13, %add3A_13 : vector<64x4096xf32>
    %reduce_sum3A_23 = arith.constant dense<0.000000e+00> : vector<4096xf32>
    %reduce_sum3A_24 = vector.multi_reduction <add>, %mul3A_22, %reduce_sum3A_23 [0] : vector<64x4096xf32> to vector<4096xf32>
    %broadcast_in_dim3A_25 = vector.shape_cast %reduce_sum3A_24 : vector<4096xf32> to vector<1x4096xf32>
    %sqrt3A_26 = math.sqrt %broadcast_in_dim3A_25 : vector<1x4096xf32>
    %max3A_27 = arith.constant 9.99999996E-13 : f32
    %max3A_28 = vector.broadcast %max3A_27 : f32 to vector<1x4096xf32>
    %max3A_29 = arith.maximumf %sqrt3A_26, %max3A_28 : vector<1x4096xf32>
    %div3A_30 = vector.broadcast %max3A_29 : vector<1x4096xf32> to vector<64x4096xf32>
    %div3A_31 = arith.divf %add3A_13, %div3A_30 : vector<64x4096xf32>
    %mul3A_32 = arith.mulf %div3A_21, %div3A_31 : vector<64x4096xf32>
    %reduce_sum3A_33 = arith.constant dense<0.000000e+00> : vector<4096xf32>
    %reduce_sum3A_34 = vector.multi_reduction <add>, %mul3A_32, %reduce_sum3A_33 [0] : vector<64x4096xf32> to vector<4096xf32>
    %broadcast_in_dim3A_35 = vector.shape_cast %reduce_sum3A_34 : vector<4096xf32> to vector<1x4096xf32>
    %mul3A_36 = arith.mulf %div3A_21, %div3A_21 : vector<64x4096xf32>
    %reduce_sum3A_37 = arith.constant dense<0.000000e+00> : vector<4096xf32>
    %reduce_sum3A_38 = vector.multi_reduction <add>, %mul3A_36, %reduce_sum3A_37 [0] : vector<64x4096xf32> to vector<4096xf32>
    %broadcast_in_dim3A_39 = vector.shape_cast %reduce_sum3A_38 : vector<4096xf32> to vector<1x4096xf32>
    %sqrt3A_40 = math.sqrt %broadcast_in_dim3A_39 : vector<1x4096xf32>
    %mul3A_41 = arith.mulf %div3A_31, %div3A_31 : vector<64x4096xf32>
    %reduce_sum3A_42 = arith.constant dense<0.000000e+00> : vector<4096xf32>
    %reduce_sum3A_43 = vector.multi_reduction <add>, %mul3A_41, %reduce_sum3A_42 [0] : vector<64x4096xf32> to vector<4096xf32>
    %broadcast_in_dim3A_44 = vector.shape_cast %reduce_sum3A_43 : vector<4096xf32> to vector<1x4096xf32>
    %sqrt3A_45 = math.sqrt %broadcast_in_dim3A_44 : vector<1x4096xf32>
    %mul3A_46 = arith.mulf %sqrt3A_40, %sqrt3A_45 : vector<1x4096xf32>
    %max3A_47 = arith.constant 9.99999993E-9 : f32
    %max3A_48 = vector.broadcast %max3A_47 : f32 to vector<1x4096xf32>
    %max3A_49 = arith.maximumf %mul3A_46, %max3A_48 : vector<1x4096xf32>
    %div3A_50 = arith.divf %broadcast_in_dim3A_35, %max3A_49 : vector<1x4096xf32>
    %sub3A = arith.constant 1.000000e+00 : f32
    %sub3A_51 = vector.broadcast %sub3A : f32 to vector<1x4096xf32>
    %sub3A_52 = arith.subf %sub3A_51, %div3A_50 : vector<1x4096xf32>
    %reduce_sum3A_53 = vector.shape_cast %sub3A_52 : vector<1x4096xf32> to vector<1x1x4096xf32>
    %reduce_sum3A_54 = arith.constant dense<0.000000e+00> : vector<1xf32>
    %reduce_sum3A_55 = vector.multi_reduction <add>, %reduce_sum3A_53, %reduce_sum3A_54 [1, 2] : vector<1x1x4096xf32> to vector<1xf32>
    %reduce_sum3A_56 = vector.shape_cast %reduce_sum3A_55 : vector<1xf32> to vector<1x1x1xf32>
    %reduce_sum3A_57 = vector.extract %reduce_sum3A_56[0, 0, 0] : f32 from vector<1x1x1xf32>
    %mul3A_58 = arith.constant 2.44140625E-4 : f32
    %mul3A_59 = arith.mulf %reduce_sum3A_57, %mul3A_58 : f32
    %reshape3A = vector.broadcast %mul3A_59 : f32 to vector<1x1xf32>
    %swap3A = arith.constant 0 : index
    %swap3A_60 = arith.constant 0 : index
    %swap3A_61 = vector.load %arg6[%swap3A, %swap3A_60] : memref<1x1xf32, #tpu.memory_space<vmem>>, vector<1x1xf32>
    tpu.vector_store %arg6[%swap3A, %swap3A_60], %reshape3A {strides = array<i32>} : memref<1x1xf32, #tpu.memory_space<vmem>>, vector<1x1xf32>,
    return
  }
  func.func @transform_0(%arg0: i32) -> (i32, i32) {
    %c0_i32 = arith.constant 0 : i32
    %c0_i32_0 = arith.constant 0 : i32
    %c0_i32_1 = arith.constant 0 : i32
    return %c0_i32, %c0_i32_0 : i32, i32
  }
  func.func @transform_1(%arg0: i32) -> (i32, i32) {
    %c0_i32 = arith.constant 0 : i32
    %c0_i32_0 = arith.constant 0 : i32
    %c0_i32_1 = arith.constant 0 : i32
    return %c0_i32, %c0_i32_0 : i32, i32
  }
  func.func @transform_2(%arg0: i32) -> (i32, i32) {
    %c0_i32 = arith.constant 0 : i32
    %c0_i32_0 = arith.constant 0 : i32
    %c0_i32_1 = arith.constant 0 : i32
    return %c0_i32, %c0_i32_0 : i32, i32
  }
  func.func @transform_3(%arg0: i32) -> (i32, i32) {
    %c0_i32 = arith.constant 0 : i32
    %c0_i32_0 = arith.constant 0 : i32
    %c0_i32_1 = arith.constant 0 : i32
    return %c0_i32, %c0_i32_0 : i32, i32
  }
  func.func @transform_4(%arg0: i32) -> (i32, i32) {
    %c0_i32 = arith.constant 0 : i32
    %c0_i32_0 = arith.constant 0 : i32
    %c0_i32_1 = arith.constant 0 : i32
    return %c0_i32, %c0_i32_0 : i32, i32
  }
  func.func @transform_5(%arg0: i32) -> (i32, i32) {
    %c0_i32 = arith.constant 0 : i32
    %c0_i32_0 = arith.constant 0 : i32
    %c0_i32_1 = arith.constant 0 : i32
    return %c0_i32, %c0_i32_0 : i32, i32
  }
}

</mosaic_0001>

<sc_bundles>
// kernel: kernel.5.cloned.1.call-start
scs
__scs_entry_jumppad:
0x0: {  	(pc) =	sbr.rel $0x88, $3  }
0x1: {  	(tag) =	ssettag $0x0;
	lr =	simm.s32 $0x1  }
0x2: {  	[smem:$0x3F9A] =	sst lr;
	_ =	strace $0xD0000000  }
0x3: {  	_ = 	snop  }
0x4: {  	_ = 	snop  }
0x5: {  	_ = 	snop  }
0x6: {  	_ = 	snop  }
0x7: {  	_ = 	snop  }
__scs_overlays_trampoline_lowered:
0x8: {  	[smem:$0x3FA9] =	sst s0  }
0x9: {  	[smem:$0x3FAA] =	sst s1  }
0xa: {  	[smem:$0x3FAB] =	sst s2  }
0xb: {  	[smem:$0x3FAC] =	sst s3  }
0xc: {  	[smem:$0x3FAD] =	sst s4  }
0xd: {  	[smem:$0x3FAE] =	sst s5  }
0xe: {  	[smem:$0x3FAF] =	sst s6  }
0xf: {  	[smem:$0x3FB0] =	sst s7  }
0x10: {  	[smem:$0x3FB1] =	sst s8  }
0x11: {  	[smem:$0x3FB2] =	sst s9;
	s0 =	simm.s32 @!p0 $0x0  }
0x12: {  	s1 =	sld [smem:$0x3F98];
	s0 =	simm.s32 @p0 $0x1  }
0x13: {  	[smem:$0x3FB3] =	sst s0;
	s0 =	simm.s32 @!p1 $0x0  }
0x14: {  	s2 =	sld [smem:$0x3F97];
	s0 =	simm.s32 @p1 $0x1  }
0x15: {  	[smem:$0x3FB4] =	sst s0;
	s0 =	simm.s32 @!p2 $0x0  }
0x16: {  	s3 =	sld [smem:$0x3FDB];
	s0 =	simm.s32 @p2 $0x1  }
0x17: {  	s4 =	simm.s32 $0x1BF5;
	[smem:$0x3FB6] =	sst s0  }
0x18: {  	s0 =	sld [smem:$0x3F99];
	_ =	swait.ge [sflag:s4], $0x0  }
0x19: {  	s7 =	sld [smem:$0x3F9A]  }
0x1a: {  	s8 =	sadd.s32 $0xFFFFE003, lr  }
0x1b: {  	s9 =	sadd.s32 $0xFFFFFEF7, lr;
	s5 =	simm.s32 $0xFFFFFFFF;
	p2 =	slt.u32 s8, $0xFFFFF086  }
0x1c: {  	p1 =	slt.u32 s9, $0xF7A;
	s5 =	simm.s32 @!p2 $0x0  }
0x1d: {  	s5 =	simm.s32 @p1 $0x1;
	p0 =	seq.s32 s7, s2  }
0x1e: {  	s7 =	smul.u32 @!p0 $0xF7A, s2;
	p2 =	seq.s32 @!p0 s5, $0x0  }
0x1f: {  	s9 =	smul.u32 $0xF7A, s1;
	s8 =	simm.s32 @!p0 $0x1BF5;
	p2 =	por !p2, p0  }
0x20: {  	[sflag:s8] =	ssyncset.s32 @!p0 $0xFFFFF086;
	s6 =	sadd.s32 @!p0 s3, s7;
	s7 =	simm.s32 @!p0 $0x108  }
0x21: {  	s3 =	sadd.s32 s3, s9;
	s6 =	sadd.s32 @!p0 $0x88, s6;
	s7 =	simm.s32 @p2 $0x1082  }
0x22: {  	[simem:s7], [sflag:s8] =	dma.local @!p0 [hbm:s6], $0xF7A  }
0x23: {  	s9 =	sor.u32 $0xD0000000, s2;
	s6 =	simm.s32 $0x108;
	_ =	swait.ge @!p0 [sflag:s8], $0x0  }
0x24: {  	s3 =	sadd.s32 $0x88, s3;
	s6 =	simm.s32 @!p1 $0x1082;
	[sflag:s4] =	ssyncset.s32 $0xFFFFF086  }
0x25: {  	[simem:s6], [sflag:s4] =	dma.local [hbm:s3], $0xF7A  }
0x26: {  	[smem:$0x3F9A] =	sst s1;
	(tag) =	ssettag s2;
	_ =	strace s9  }
0x27: {  	s1 =	sld [smem:$0x3FAA]  }
0x28: {  	s2 =	sld [smem:$0x3FAB]  }
0x29: {  	s4 =	sld [smem:$0x3FAD]  }
0x2a: {  	p0 =	seq.s32 s5, $0x0;
	s5 =	sld [smem:$0x3FAE]  }
0x2b: {  	s6 =	sld [smem:$0x3FAF]  }
0x2c: {  	s7 =	sld [smem:$0x3FB0]  }
0x2d: {  	s3 =	simm.s32 $0x108;
	s8 =	sld [smem:$0x3FB1]  }
0x2e: {  	s3 =	simm.s32 @!p0 $0x1082;
	s9 =	sld [smem:$0x3FB2]  }
0x2f: {  	lr =	sadd.s32 s0, s3;
	s0 =	sld [smem:$0x3FA9]  }
0x30: {  	s3 =	sld [smem:$0x3FAC]  }
0x31: {  	[smem:$0x3FB5] =	sst s10  }
0x32: {  	s10 =	sld [smem:$0x3FB3];
	_ =	sdelay $0x3  }
0x33: {  	p0 =	seq.s32 s10, $0x1;
	s10 =	sld [smem:$0x3FB5];
	_ =	sdelay $0x3  }
0x34: {  	[smem:$0x3FB5] =	sst s10  }
0x35: {  	s10 =	sld [smem:$0x3FB4];
	_ =	sdelay $0x3  }
0x36: {  	p1 =	seq.s32 s10, $0x1;
	s10 =	sld [smem:$0x3FB5];
	_ =	sdelay $0x3  }
0x37: {  	[smem:$0x3FB5] =	sst s10  }
0x38: {  	s10 =	sld [smem:$0x3FB6]  }
0x39: {  	_ = 	snop;
	(pc) =	sbr.ind lr, $3  }
0x3a: {  	_ = 	snop  }
0x3b: {  	_ = 	snop  }
0x3c: {  	p2 =	seq.s32 s10, $0x1;
	s10 =	sld [smem:$0x3FB5]  }
0x3d: {  	_ =	shalt  }
0x3e: {  	_ =	shalt  }
0x3f: {  	_ =	shalt  }
0x40: {  	_ =	shalt  }
0x41: {  	_ =	shalt  }
0x42: {  	_ =	shalt  }
0x43: {  	_ =	shalt  }
0x44: {  	_ =	shalt  }
0x45: {  	_ =	shalt  }
0x46: {  	_ =	shalt  }
0x47: {  	_ =	shalt  }
0x48: {  	_ =	shalt  }
0x49: {  	_ =	shalt  }
0x4a: {  	_ =	shalt  }
0x4b: {  	_ =	shalt  }
0x4c: {  	_ =	shalt  }
0x4d: {  	_ =	shalt  }
0x4e: {  	_ =	shalt  }
0x4f: {  	_ =	shalt  }
0x50: {  	_ =	shalt  }
0x51: {  	_ =	shalt  }
0x52: {  	_ =	shalt  }
0x53: {  	_ =	shalt  }
0x54: {  	_ =	shalt  }
0x55: {  	_ =	shalt  }
0x56: {  	_ =	shalt  }
0x57: {  	_ =	shalt  }
0x58: {  	_ =	shalt  }
0x59: {  	_ =	shalt  }
0x5a: {  	_ =	shalt  }
0x5b: {  	_ =	shalt  }
0x5c: {  	_ =	shalt  }
0x5d: {  	_ =	shalt  }
0x5e: {  	_ =	shalt  }
0x5f: {  	_ =	shalt  }
0x60: {  	_ =	shalt  }
0x61: {  	_ =	shalt  }
0x62: {  	_ =	shalt  }
0x63: {  	_ =	shalt  }
0x64: {  	_ =	shalt  }
0x65: {  	_ =	shalt  }
0x66: {  	_ =	shalt  }
0x67: {  	_ =	shalt  }
0x68: {  	_ =	shalt  }
0x69: {  	_ =	shalt  }
0x6a: {  	_ =	shalt  }
0x6b: {  	_ =	shalt  }
0x6c: {  	_ =	shalt  }
0x6d: {  	_ =	shalt  }
0x6e: {  	_ =	shalt  }
0x6f: {  	_ =	shalt  }
0x70: {  	_ =	shalt  }
0x71: {  	_ =	shalt  }
0x72: {  	_ =	shalt  }
0x73: {  	_ =	shalt  }
0x74: {  	_ =	shalt  }
0x75: {  	_ =	shalt  }
0x76: {  	_ =	shalt  }
0x77: {  	_ =	shalt  }
0x78: {  	_ =	shalt  }
0x79: {  	_ =	shalt  }
0x7a: {  	_ =	shalt  }
0x7b: {  	_ =	shalt  }
0x7c: {  	_ =	shalt  }
0x7d: {  	_ =	shalt  }
0x7e: {  	_ =	shalt  }
0x7f: {  	_ =	shalt  }
0x80: {  	_ =	shalt  }
0x81: {  	_ =	shalt  }
0x82: {  	_ =	shalt  }
0x83: {  	_ =	shalt  }
0x84: {  	_ =	shalt  }
0x85: {  	_ =	shalt  }
0x86: {  	_ =	shalt  }
0x87: {  	_ =	shalt  }
.Lfunc_end0:
.L_simem_size_0:
called_computation_lowered:
.L_overlay_start_0:
0x88: {  	s2 =	sld [smem:$0x3FD9]  }
0x89: {  	s3 =	sld [smem:$0x3FFE];
	_ =	sdelay $0x1  }
0x8a: {  	s1 =	srdreg.scid  }
0x8b: {  	s0 =	sand.u32 $0x1, s1  }
0x8c: {  	s16 =	sshll.u32 s0, $0xA;
	s2 =	sadd.s32 s3, s2  }
0x8d: {  	s2 =	sadd.s32 s2, s16  }
0x8e: {  	[smem:$0x3FC1] =	sst s2  }
0x8f: {  	_ = 	snop  }
0x90: {  	(tm) =	ssettm $0x1  }
0x91: {  	s17 =	sld [smem:$0x3FFB];
	_ =	sdelay $0x3  }
0x92: {  	_ =	strace s17  }
0x93: {  	s2 =	sld [smem:$0x3FFC];
	_ =	sdelay $0x3  }
0x94: {  	_ =	strace s2  }
0x95: {  	s2 =	sld [smem:$0x3FFD];
	_ =	sdelay $0x3  }
0x96: {  	_ =	strace s2  }
0x97: {  	_ =	strace $0x8FFFFFFF  }
0x98: {  	s18 =	sld [smem:$0x3FDB];
	_ =	sdelay $0x1  }
0x99: {  	s19 =	simm.s32 $_scs_section_size  }
0x9a: {  	s4 =	simm.s32 $_size__tile_overlayer_lowered;
	s5 =	simm.s32 $_tile_overlayer_lowered  }
0x9b: {  	s22 =	simm.s32 $0x1BFF;
	s21 =	sshll.u32 s5, $0x1;
	s2 =	sadd.s32 s19, s18  }
0x9c: {  	s6 =	simm.s32 $0x0;
	s20 =	sshll.u32 s4, $0x1;
	s4 =	sadd.s32 s21, s2  }
0x9d: {  	[timem:s6], [sflag:s22] =	dma.local [hbm:s4], s20  }
0x9e: {  	_ =	swait.ge [sflag:s22], s20  }
0x9f: {  	s3 =	ssub.s32 $0x0, s20;
	[sflag:s22] =	ssyncset.done $0x0  }
0xa0: {  	[sflag:s22] =	ssyncadd.s32 s3;
	_ =	sdelay $0x1  }
0xa1: {  	s23 =	simm.s32 $0x1B8B  }
0xa2: {  	_ =	swait.ge [sflag:s23], $0x1  }
0xa3: {  	[sflag:s23] =	ssyncset.done $0x0  }
0xa4: {  	s25 =	simm.s32 $0x1B8E;
	s24 =	sld [smem:$0x3FFE];
	[sflag:s23] =	ssyncadd.s32 $0xFFFFFFFF  }
0xa5: {  	s26 =	simm.s32 $execute0_lowered;
	[smem:$0x3FD2] =	sst s25  }
0xa6: {  	s4 =	sshll.u32 s26, $0x1;
	_ =	strace $0x80000046;
	[dreg:$0x1] =	wrdreg $0xFFFFFFFF  }
0xa7: {  	s28 =	simm.s32 $_size_execute0_lowered;
	s2 =	sadd.s32 s2, s4;
	[dreg:$0x0] =	wrdreg $0x0  }
0xa8: {  	s4 =	sshll.u32 s28, $0x1;
	[dreg:$0x2] =	wrdreg s2  }
0xa9: {  	[dreg:$0x3] =	wrdreg s4  }
0xaa: {  	[dreg:$0x4] =	wrdreg $0xC0  }
0xab: {  	_ =	task [dreg:s6], $0x5FFFF  }
0xac: {  	[dreg:$0x1] =	wrdreg $0xFFFFFFFF  }
0xad: {  	[dreg:$0x0] =	wrdreg $0x60  }
0xae: {  	[dreg:$0x2] =	wrdreg s24  }
0xaf: {  	[dreg:$0x3] =	wrdreg $0x9  }
0xb0: {  	_ =	task.clear_ibuf [dreg:s6], $0x4FFFF;
	_ =	strace $0x90000046  }
0xb1: {  	s29 =	simm.s32 $0x9;
	_ =	strace $0x80000048  }
0xb2: {  	_ =	swait.ge [sflag:s29], $0x1  }
0xb3: {  	[sflag:s29] =	ssyncadd.s32 $0xFFFFFFFF  }
0xb4: {  	_ =	strace $0x90000048  }
0xb5: {  	_ =	sfence  }
0xb6: {  	s30 =	sld [smem:$0x0];
	_ =	sdelay $0x2  }
0xb7: {  	s31 =	sshll.u32 s1, $0xD;
	s1 =	sshrl.u32 s1, $0x2  }
0xb8: {  	s3 =	sand.u32 $0x4000, s31;
	s1 =	sadd.s32 s1, s30  }
0xb9: {  	s0 =	sor.u32 s3, s0;
	s1 =	sshll.u32 s1, $0x11  }
0xba: {  	s0 =	sor.u32 s1, s0  }
0xbb: {  	s0 =	sadd.s32 $0x8F2B, s0  }
0xbc: {  	[sflag:s0] =	ssyncadd.remote.s32 $0x1  }
0xbd: {  	_ =	sfence.sel $0xFFFF  }
0xbe: {  	[dreg:$0x0] =	wrdreg $0xFFFFFFFF;
	(pc) =	sbr.abs _section_cstart, $3  }
0xbf: {  	[dreg:$0x1] =	wrdreg $0xFFFFFFFF  }
0xc0: {  	_ =	task.clear_ibuf [dreg:s6], $0x2FFFF;
	_ =	strace $0x9FFFFFFF  }
0xc1: {  	(tm) =	ssettm $0x7FFFFFFF  }
tec
execute0_lowered:
.L_overlay_start_1:
0x0: {  	(tag) =	ssettag $0x1  }
0x1: {  	s1 =	srdreg.scid  }
0x2: {  	s0 =	stileid.u32;
	s4 =	rddreg [dreg:$0x0];
	s2 =	simm.s32 $0x0  }
0x3: {  	s9 =	simm.s32 $0x6800;
	s10 =	simm.s32 $0x68;
	s11 =	simm.s32 $0x8100  }
0x4: {  	s12 =	simm.s32 $0xD0;
	s13 =	simm.s32 $0x9A00;
	s14 =	simm.s32 $0x138  }
0x5: {  	s15 =	simm.s32 $0xB300;
	s16 =	simm.s32 $0x1;
	s17 =	simm.s32 $0x2  }
0x6: {  	s18 =	simm.s32 $0xCC00;
	s5 =	sand.u32 $0x1, s1;
	s1 =	rddreg [dreg:$0x1]  }
0x7: {  	s19 =	simm.s32 $0x0;
	s3 =	sshll.u32 s0, $0x1;
	[smem:$0x7FF] =	sst s2  }
0x8: {  	s6 =	sor.u32 s5, s3;
	_ =	strace $0x80000047;
	s5 =	ssub.s32 $0x2, s5  }
0x9: {  	s7 =	smul.u32 $0xD00, s6;
	s6 =	sshll.u32 s6, $0xA;
	s8 =	sshrl.u32 s5, $0x1  }
0xa: {  	s3 =	sadd.s32 $0xF43600, s4;
	s6 =	sadd.s32 s6, s4;
	s8 =	ssub.s32 s5, s8  }
0xb: {  	s7 =	sadd.s32 s7, s4;
	s5 =	sadd.s32 $0x1B200, s6;
	s6 =	smax.u32 s8, $0x1  }
0xc: {  	s8 =	simm.s32 $0x64;
	s4 =	sadd.s32 $0x1200, s7;
	s7 =	simm.s32 $0x3  }
.LBB2_1:
0xd: {  	[tilespmem:s2], [sflag:$0x3] =	stream.linear.gather [hbm4b:s4+s2], $0x6800, $0x38;
	[tilespmem:$0xEC00] =	vst v63  }
0xe: {  	_ =	swait.ge [sflag:s7], $0x6800  }
0xf: {  	[sflag:s7] =	ssyncset.done $0x0  }
0x10: {  	[sflag:s7] =	ssyncadd.s32 $0xFFFF9800  }
0x11: {  	[tilespmem:s9], [sflag:$0x1] =	stream.indirect.gather [hbm4b:s3+s8], $0x40, s2, s8, $0xb8;
	[tilespmem:$0xEC00] =	vst v63  }
0x12: {  	_ = 	snop  }
0x13: {  	[tilespmem:s11], [sflag:$0x1] =	stream.indirect.gather [hbm4b:s3+s8], $0x40, s10, s8, $0xb8;
	[tilespmem:$0xEC00] =	vst v63  }
0x14: {  	_ = 	snop  }
0x15: {  	[tilespmem:s13], [sflag:$0x2] =	stream.indirect.gather [hbm4b:s3+s8], $0x40, s12, s8, $0xb8;
	[tilespmem:$0xEC00] =	vst v63  }
0x16: {  	s20 =	simm.s32 $0x0  }
0x17: {  	[tilespmem:s15], [sflag:$0x2] =	stream.indirect.gather [hbm4b:s3+s8], $0x40, s14, s8, $0xb8;
	[tilespmem:$0xEC00] =	vst v63  }
.LBB2_2:
0x18: {  	_ =	swait.ge [sflag:s16], $0x1900  }
0x19: {  	[sflag:s16] =	ssyncset.done $0x0  }
0x1a: {  	[sflag:s16] =	ssyncadd.s32 $0xFFFFE700  }
0x1b: {  	_ =	swait.ge [sflag:s16], $0x1900  }
0x1c: {  	[sflag:s16] =	ssyncset.done $0x0  }
0x1d: {  	s21 =	simm.s32 $0x0;
	[sflag:s16] =	ssyncadd.s32 $0xFFFFE700  }
0x1e: {  	v2 =	vld [tilespmem:s21+$0x6880]  }
0x1f: {  	v4 =	vld [tilespmem:s21+$0x6890]  }
0x20: {  	v3 =	vld [tilespmem:s21+$0x68A0]  }
0x21: {  	v5 =	vld [tilespmem:s21+$0x68B0]  }
0x22: {  	v0 =	vld [tilespmem:s21+$0x68C0]  }
0x23: {  	v1 =	vld [tilespmem:s21+$0x68D0]  }
0x24: {  	v18 =	vld [tilespmem:s21+$0x6800]  }
0x25: {  	v20 =	vld [tilespmem:s21+$0x6810]  }
0x26: {  	v17 =	vld [tilespmem:s21+$0x6820]  }
0x27: {  	v19 =	vld [tilespmem:s21+$0x6830]  }
0x28: {  	v10 =	vimm.f32 $0.0e+00;
	v11 =	vimm.f32 $0.0e+00;
	v14 =	vld [tilespmem:s21+$0x6840]  }
0x29: {  	v12 =	vimm.f32 $0.0e+00;
	v13 =	vimm.f32 $0.0e+00;
	v6 =	vimm.f32 $0.0e+00;
	v15 =	vld [tilespmem:s21+$0x6850]  }
0x2a: {  	s22 =	simm.s32 $0x400;
	v8 =	vimm.f32 $0.0e+00;
	v9 =	vimm.f32 $0.0e+00;
	v7 =	vimm.f32 $0.0e+00;
	v16 =	vld [tilespmem:s21+$0x6860]  }
.LBB2_3:
0x2b: {  	p0 =	sne.s32 s22, $0xC400;
	v10 =	vadd.f32 v18, v10;
	v11 =	vadd.f32 v20, v11;
	v18 =	vld [tilespmem:s21+$0x6870]  }
0x2c: {  	v12 =	vadd.f32 v17, v12;
	v13 =	vadd.f32 v19, v13;
	v17 =	vld [tilespmem:s21+$0x68E0]  }
0x2d: {  	v10 =	vadd.f32 v2, v10;
	v11 =	vadd.f32 v4, v11;
	v19 =	vld [tilespmem:s21+$0x68F0];
	s21 =	sshra.s32 s22, $0x2  }
0x2e: {  	v12 =	vadd.f32 v3, v12;
	v2 =	vld [tilespmem:s21+$0x6880];
	v13 =	vadd.f32 v5, v13  }
0x2f: {  	v6 =	vadd.f32 v14, v6;
	v8 =	vadd.f32 v15, v8;
	v4 =	vld [tilespmem:s21+$0x6890]  }
0x30: {  	v9 =	vadd.f32 v16, v9;
	v3 =	vld [tilespmem:s21+$0x68A0];
	v7 =	vadd.f32 v18, v7  }
0x31: {  	v6 =	vadd.f32 v0, v6;
	v8 =	vadd.f32 v1, v8;
	v5 =	vld [tilespmem:s21+$0x68B0]  }
0x32: {  	v9 =	vadd.f32 v17, v9;
	v0 =	vld [tilespmem:s21+$0x68C0];
	v7 =	vadd.f32 v19, v7  }
0x33: {  	v1 =	vld [tilespmem:s21+$0x68D0]  }
0x34: {  	v18 =	vld [tilespmem:s21+$0x6800]  }
0x35: {  	v20 =	vld [tilespmem:s21+$0x6810]  }
.Ltmp0:
0x36: {  	v17 =	vld [tilespmem:s21+$0x6820];
	(pc) =	sbr.rel @p0 .LBB2_3-.Ltmp0, $4  }
0x37: {  	v19 =	vld [tilespmem:s21+$0x6830]  }
0x38: {  	v14 =	vld [tilespmem:s21+$0x6840]  }
0x39: {  	v15 =	vld [tilespmem:s21+$0x6850]  }
0x3a: {  	s22 =	sadd.s32 $0x400, s22;
	v16 =	vld [tilespmem:s21+$0x6860]  }
0x3b: {  	v10 =	vadd.f32 v18, v10;
	v11 =	vadd.f32 v20, v11  }
0x3c: {  	v18 =	vld [tilespmem:s21+$0x6870];
	v12 =	vadd.f32 v17, v12;
	v13 =	vadd.f32 v19, v13  }
0x3d: {  	v17 =	vld [tilespmem:s21+$0x68E0];
	v2 =	vadd.f32 v2, v10;
	v4 =	vadd.f32 v4, v11  }
0x3e: {  	v10 =	vld [tilespmem:s21+$0x68F0];
	v3 =	vadd.f32 v3, v12;
	v6 =	vadd.f32 v14, v6  }
0x3f: {  	v5 =	vadd.f32 v5, v13;
	v8 =	vadd.f32 v15, v8  }
0x40: {  	v9 =	vadd.f32 v16, v9;
	v0 =	vadd.f32 v0, v6  }
0x41: {  	v6 =	vadd.f32 v18, v7;
	v1 =	vadd.f32 v1, v8  }
0x42: {  	s30 =	sshll.u32 s20, $0x7;
	v7 =	vadd.f32 v17, v9;
	v0 =	vadd.f32 v0, v2  }
0x43: {  	s21 =	sand.u32 $0x3FFFFF80, s30;
	v2 =	vadd.f32 v10, v6;
	v1 =	vadd.f32 v1, v4  }
0x44: {  	s22 =	smul.u32 $0x680, s20;
	[tilespmem:s21+$0xCC00] =	vst v0;
	v0 =	vadd.f32 v7, v3  }
0x45: {  	[tilespmem:s21+$0xCC10] =	vst v1;
	v1 =	vadd.f32 v2, v5  }
0x46: {  	s22 =	sshra.s32 s22, $0x2;
	[tilespmem:s21+$0xCC20] =	vst v0  }
0x47: {  	s23 =	sadd.s32 $0x1A0, s22;
	[tilespmem:s21+$0xCC30] =	vst v1  }
0x48: {  	[tilespmem:s9], [sflag:$0x1] =	stream.indirect.gather [hbm4b:s3+s8], $0x40, s23, s8, $0xb8;
	[tilespmem:$0xEC00] =	vst v63  }
0x49: {  	s31 =	sadd.s32 $0x208, s22  }
0x4a: {  	[tilespmem:s11], [sflag:$0x1] =	stream.indirect.gather [hbm4b:s3+s8], $0x40, s31, s8, $0xb8;
	[tilespmem:$0xEC00] =	vst v63  }
0x4b: {  	_ =	swait.ge [sflag:s17], $0x1900  }
0x4c: {  	[sflag:s17] =	ssyncset.done $0x0  }
0x4d: {  	[sflag:s17] =	ssyncadd.s32 $0xFFFFE700  }
0x4e: {  	_ =	swait.ge [sflag:s17], $0x1900  }
0x4f: {  	[sflag:s17] =	ssyncset.done $0x0  }
0x50: {  	s23 =	simm.s32 $0x0;
	[sflag:s17] =	ssyncadd.s32 $0xFFFFE700  }
0x51: {  	v2 =	vld [tilespmem:s23+$0x9A80]  }
0x52: {  	v4 =	vld [tilespmem:s23+$0x9A90]  }
0x53: {  	v3 =	vld [tilespmem:s23+$0x9AA0]  }
0x54: {  	v5 =	vld [tilespmem:s23+$0x9AB0]  }
0x55: {  	v0 =	vld [tilespmem:s23+$0x9AC0]  }
0x56: {  	v1 =	vld [tilespmem:s23+$0x9AD0]  }
0x57: {  	v18 =	vld [tilespmem:s23+$0x9A00]  }
0x58: {  	v20 =	vld [tilespmem:s23+$0x9A10]  }
0x59: {  	v17 =	vld [tilespmem:s23+$0x9A20]  }
0x5a: {  	v19 =	vld [tilespmem:s23+$0x9A30]  }
0x5b: {  	v11 =	vimm.f32 $0.0e+00;
	v12 =	vimm.f32 $0.0e+00;
	v14 =	vld [tilespmem:s23+$0x9A40]  }
0x5c: {  	v13 =	vimm.f32 $0.0e+00;
	v8 =	vimm.f32 $0.0e+00;
	v9 =	vimm.f32 $0.0e+00;
	v15 =	vld [tilespmem:s23+$0x9A50]  }
0x5d: {  	s24 =	simm.s32 $0x400;
	v10 =	vimm.f32 $0.0e+00;
	v6 =	vimm.f32 $0.0e+00;
	v7 =	vimm.f32 $0.0e+00;
	v16 =	vld [tilespmem:s23+$0x9A60]  }
.LBB2_5:
0x5e: {  	p0 =	sne.s32 s24, $0xC400;
	v10 =	vadd.f32 v18, v10;
	v11 =	vadd.f32 v20, v11;
	v18 =	vld [tilespmem:s23+$0x9A70]  }
0x5f: {  	v12 =	vadd.f32 v17, v12;
	v13 =	vadd.f32 v19, v13;
	v17 =	vld [tilespmem:s23+$0x9AE0]  }
0x60: {  	v10 =	vadd.f32 v2, v10;
	v11 =	vadd.f32 v4, v11;
	v19 =	vld [tilespmem:s23+$0x9AF0];
	s23 =	sshra.s32 s24, $0x2  }
0x61: {  	v12 =	vadd.f32 v3, v12;
	v2 =	vld [tilespmem:s23+$0x9A80];
	v13 =	vadd.f32 v5, v13  }
0x62: {  	v6 =	vadd.f32 v14, v6;
	v8 =	vadd.f32 v15, v8;
	v4 =	vld [tilespmem:s23+$0x9A90]  }
0x63: {  	v9 =	vadd.f32 v16, v9;
	v3 =	vld [tilespmem:s23+$0x9AA0];
	v7 =	vadd.f32 v18, v7  }
0x64: {  	v6 =	vadd.f32 v0, v6;
	v8 =	vadd.f32 v1, v8;
	v5 =	vld [tilespmem:s23+$0x9AB0]  }
0x65: {  	v9 =	vadd.f32 v17, v9;
	v0 =	vld [tilespmem:s23+$0x9AC0];
	v7 =	vadd.f32 v19, v7  }
0x66: {  	v1 =	vld [tilespmem:s23+$0x9AD0]  }
0x67: {  	v18 =	vld [tilespmem:s23+$0x9A00]  }
0x68: {  	v20 =	vld [tilespmem:s23+$0x9A10]  }
.Ltmp1:
0x69: {  	v17 =	vld [tilespmem:s23+$0x9A20];
	(pc) =	sbr.rel @p0 .LBB2_5-.Ltmp1, $4  }
0x6a: {  	v19 =	vld [tilespmem:s23+$0x9A30]  }
0x6b: {  	v14 =	vld [tilespmem:s23+$0x9A40]  }
0x6c: {  	v15 =	vld [tilespmem:s23+$0x9A50]  }
0x6d: {  	s24 =	sadd.s32 $0x400, s24;
	v16 =	vld [tilespmem:s23+$0x9A60]  }
0x6e: {  	v10 =	vadd.f32 v18, v10;
	v11 =	vadd.f32 v20, v11  }
0x6f: {  	v56 =	vld [tilespmem:s23+$0x9A70];
	v12 =	vadd.f32 v17, v12;
	v13 =	vadd.f32 v19, v13  }
0x70: {  	v57 =	vld [tilespmem:s23+$0x9AE0];
	v2 =	vadd.f32 v2, v10;
	v4 =	vadd.f32 v4, v11  }
0x71: {  	v58 =	vld [tilespmem:s23+$0x9AF0];
	v3 =	vadd.f32 v3, v12;
	v6 =	vadd.f32 v14, v6  }
0x72: {  	v5 =	vadd.f32 v5, v13;
	v8 =	vadd.f32 v15, v8  }
0x73: {  	v9 =	vadd.f32 v16, v9;
	v0 =	vadd.f32 v0, v6  }
0x74: {  	v59 =	vadd.f32 v56, v7;
	v1 =	vadd.f32 v1, v8  }
0x75: {  	v60 =	vadd.f32 v57, v9;
	v0 =	vadd.f32 v0, v2  }
0x76: {  	v61 =	vadd.f32 v58, v59;
	v1 =	vadd.f32 v1, v4  }
0x77: {  	s20 =	sadd.s32 $0x1, s20;
	[tilespmem:s21+$0xCC40] =	vst v0;
	v62 =	vadd.f32 v60, v3  }
0x78: {  	p0 =	sne.s32 s20, $0x3F;
	[tilespmem:s21+$0xCC50] =	vst v1;
	v63 =	vadd.f32 v61, v5  }
.Ltmp2:
0x79: {  	[tilespmem:s21+$0xCC60] =	vst v62;
	(pc) =	sbr.rel @p0 .LBB2_2-.Ltmp2, $4  }
0x7a: {  	s30 =	sadd.s32 $0x270, s22;
	[tilespmem:s21+$0xCC70] =	vst v63  }
0x7b: {  	[tilespmem:s13], [sflag:$0x2] =	stream.indirect.gather [hbm4b:s3+s8], $0x40, s30, s8, $0xb8;
	[tilespmem:$0xEC00] =	vst v63  }
0x7c: {  	s31 =	sadd.s32 $0x2D8, s22  }
0x7d: {  	[tilespmem:s15], [sflag:$0x2] =	stream.indirect.gather [hbm4b:s3+s8], $0x40, s31, s8, $0xb8;
	[tilespmem:$0xEC00] =	vst v63  }
0x7e: {  	_ =	swait.ge [sflag:s16], $0x1900  }
0x7f: {  	[sflag:s16] =	ssyncset.done $0x0  }
0x80: {  	[sflag:s16] =	ssyncadd.s32 $0xFFFFE700  }
0x81: {  	_ =	swait.ge [sflag:s16], $0x1900  }
0x82: {  	[sflag:s16] =	ssyncset.done $0x0  }
0x83: {  	s20 =	simm.s32 $0x0;
	[sflag:s16] =	ssyncadd.s32 $0xFFFFE700  }
0x84: {  	v2 =	vld [tilespmem:s20+$0x6880]  }
0x85: {  	v4 =	vld [tilespmem:s20+$0x6890]  }
0x86: {  	v3 =	vld [tilespmem:s20+$0x68A0]  }
0x87: {  	v5 =	vld [tilespmem:s20+$0x68B0]  }
0x88: {  	v0 =	vld [tilespmem:s20+$0x68C0]  }
0x89: {  	v1 =	vld [tilespmem:s20+$0x68D0]  }
0x8a: {  	v18 =	vld [tilespmem:s20+$0x6800]  }
0x8b: {  	v20 =	vld [tilespmem:s20+$0x6810]  }
0x8c: {  	v17 =	vld [tilespmem:s20+$0x6820]  }
0x8d: {  	v19 =	vld [tilespmem:s20+$0x6830]  }
0x8e: {  	v10 =	vimm.f32 $0.0e+00;
	v11 =	vimm.f32 $0.0e+00;
	v14 =	vld [tilespmem:s20+$0x6840]  }
0x8f: {  	v12 =	vimm.f32 $0.0e+00;
	v13 =	vimm.f32 $0.0e+00;
	v6 =	vimm.f32 $0.0e+00;
	v15 =	vld [tilespmem:s20+$0x6850]  }
0x90: {  	s21 =	simm.s32 $0x400;
	v8 =	vimm.f32 $0.0e+00;
	v9 =	vimm.f32 $0.0e+00;
	v7 =	vimm.f32 $0.0e+00;
	v16 =	vld [tilespmem:s20+$0x6860]  }
.LBB2_8:
0x91: {  	p0 =	sne.s32 s21, $0xC400;
	v10 =	vadd.f32 v18, v10;
	v11 =	vadd.f32 v20, v11;
	v18 =	vld [tilespmem:s20+$0x6870]  }
0x92: {  	v12 =	vadd.f32 v17, v12;
	v13 =	vadd.f32 v19, v13;
	v17 =	vld [tilespmem:s20+$0x68E0]  }
0x93: {  	v10 =	vadd.f32 v2, v10;
	v11 =	vadd.f32 v4, v11;
	v19 =	vld [tilespmem:s20+$0x68F0];
	s20 =	sshra.s32 s21, $0x2  }
0x94: {  	v12 =	vadd.f32 v3, v12;
	v2 =	vld [tilespmem:s20+$0x6880];
	v13 =	vadd.f32 v5, v13  }
0x95: {  	v6 =	vadd.f32 v14, v6;
	v8 =	vadd.f32 v15, v8;
	v4 =	vld [tilespmem:s20+$0x6890]  }
0x96: {  	v9 =	vadd.f32 v16, v9;
	v3 =	vld [tilespmem:s20+$0x68A0];
	v7 =	vadd.f32 v18, v7  }
0x97: {  	v6 =	vadd.f32 v0, v6;
	v8 =	vadd.f32 v1, v8;
	v5 =	vld [tilespmem:s20+$0x68B0]  }
0x98: {  	v9 =	vadd.f32 v17, v9;
	v0 =	vld [tilespmem:s20+$0x68C0];
	v7 =	vadd.f32 v19, v7  }
0x99: {  	v1 =	vld [tilespmem:s20+$0x68D0]  }
0x9a: {  	v18 =	vld [tilespmem:s20+$0x6800]  }
0x9b: {  	v20 =	vld [tilespmem:s20+$0x6810]  }
.Ltmp3:
0x9c: {  	v17 =	vld [tilespmem:s20+$0x6820];
	(pc) =	sbr.rel @p0 .LBB2_8-.Ltmp3, $4  }
0x9d: {  	v19 =	vld [tilespmem:s20+$0x6830]  }
0x9e: {  	v14 =	vld [tilespmem:s20+$0x6840]  }
0x9f: {  	v15 =	vld [tilespmem:s20+$0x6850]  }
0xa0: {  	s21 =	sadd.s32 $0x400, s21;
	v16 =	vld [tilespmem:s20+$0x6860]  }
0xa1: {  	v10 =	vadd.f32 v18, v10;
	v11 =	vadd.f32 v20, v11  }
0xa2: {  	v18 =	vld [tilespmem:s20+$0x6870];
	v12 =	vadd.f32 v17, v12;
	v13 =	vadd.f32 v19, v13  }
0xa3: {  	v17 =	vld [tilespmem:s20+$0x68E0];
	v2 =	vadd.f32 v2, v10;
	v4 =	vadd.f32 v4, v11  }
0xa4: {  	v10 =	vld [tilespmem:s20+$0x68F0];
	v3 =	vadd.f32 v3, v12;
	v6 =	vadd.f32 v14, v6  }
0xa5: {  	v5 =	vadd.f32 v5, v13;
	v8 =	vadd.f32 v15, v8  }
0xa6: {  	v9 =	vadd.f32 v16, v9;
	v0 =	vadd.f32 v0, v6  }
0xa7: {  	v6 =	vadd.f32 v18, v7;
	v1 =	vadd.f32 v1, v8  }
0xa8: {  	v7 =	vadd.f32 v17, v9;
	v0 =	vadd.f32 v0, v2  }
0xa9: {  	v2 =	vadd.f32 v10, v6;
	v1 =	vadd.f32 v1, v4  }
0xaa: {  	[tilespmem:$0xEB80] =	vst v0;
	v0 =	vadd.f32 v7, v3  }
0xab: {  	[tilespmem:$0xEB90] =	vst v1;
	v1 =	vadd.f32 v2, v5  }
0xac: {  	[tilespmem:$0xEBA0] =	vst v0  }
0xad: {  	[tilespmem:$0xEBB0] =	vst v1  }
0xae: {  	_ =	swait.ge [sflag:s17], $0x1900  }
0xaf: {  	[sflag:s17] =	ssyncset.done $0x0  }
0xb0: {  	[sflag:s17] =	ssyncadd.s32 $0xFFFFE700  }
0xb1: {  	_ =	swait.ge [sflag:s17], $0x1900  }
0xb2: {  	[sflag:s17] =	ssyncset.done $0x0  }
0xb3: {  	s20 =	simm.s32 $0x0;
	[sflag:s17] =	ssyncadd.s32 $0xFFFFE700  }
0xb4: {  	v2 =	vld [tilespmem:s20+$0x9A80]  }
0xb5: {  	v4 =	vld [tilespmem:s20+$0x9A90]  }
0xb6: {  	v3 =	vld [tilespmem:s20+$0x9AA0]  }
0xb7: {  	v5 =	vld [tilespmem:s20+$0x9AB0]  }
0xb8: {  	v0 =	vld [tilespmem:s20+$0x9AC0]  }
0xb9: {  	v1 =	vld [tilespmem:s20+$0x9AD0]  }
0xba: {  	v18 =	vld [tilespmem:s20+$0x9A00]  }
0xbb: {  	v20 =	vld [tilespmem:s20+$0x9A10]  }
0xbc: {  	v17 =	vld [tilespmem:s20+$0x9A20]  }
0xbd: {  	v19 =	vld [tilespmem:s20+$0x9A30]  }
0xbe: {  	v11 =	vimm.f32 $0.0e+00;
	v12 =	vimm.f32 $0.0e+00;
	v14 =	vld [tilespmem:s20+$0x9A40]  }
0xbf: {  	v13 =	vimm.f32 $0.0e+00;
	v8 =	vimm.f32 $0.0e+00;
	v9 =	vimm.f32 $0.0e+00;
	v15 =	vld [tilespmem:s20+$0x9A50]  }
0xc0: {  	s21 =	simm.s32 $0x400;
	v10 =	vimm.f32 $0.0e+00;
	v6 =	vimm.f32 $0.0e+00;
	v7 =	vimm.f32 $0.0e+00;
	v16 =	vld [tilespmem:s20+$0x9A60]  }
.LBB2_10:
0xc1: {  	p0 =	sne.s32 s21, $0xC400;
	v10 =	vadd.f32 v18, v10;
	v11 =	vadd.f32 v20, v11;
	v18 =	vld [tilespmem:s20+$0x9A70]  }
0xc2: {  	v12 =	vadd.f32 v17, v12;
	v13 =	vadd.f32 v19, v13;
	v17 =	vld [tilespmem:s20+$0x9AE0]  }
0xc3: {  	v10 =	vadd.f32 v2, v10;
	v11 =	vadd.f32 v4, v11;
	v19 =	vld [tilespmem:s20+$0x9AF0];
	s20 =	sshra.s32 s21, $0x2  }
0xc4: {  	v12 =	vadd.f32 v3, v12;
	v2 =	vld [tilespmem:s20+$0x9A80];
	v13 =	vadd.f32 v5, v13  }
0xc5: {  	v6 =	vadd.f32 v14, v6;
	v8 =	vadd.f32 v15, v8;
	v4 =	vld [tilespmem:s20+$0x9A90]  }
0xc6: {  	v9 =	vadd.f32 v16, v9;
	v3 =	vld [tilespmem:s20+$0x9AA0];
	v7 =	vadd.f32 v18, v7  }
0xc7: {  	v6 =	vadd.f32 v0, v6;
	v8 =	vadd.f32 v1, v8;
	v5 =	vld [tilespmem:s20+$0x9AB0]  }
0xc8: {  	v9 =	vadd.f32 v17, v9;
	v0 =	vld [tilespmem:s20+$0x9AC0];
	v7 =	vadd.f32 v19, v7  }
0xc9: {  	v1 =	vld [tilespmem:s20+$0x9AD0]  }
0xca: {  	v18 =	vld [tilespmem:s20+$0x9A00]  }
0xcb: {  	v20 =	vld [tilespmem:s20+$0x9A10]  }
.Ltmp4:
0xcc: {  	v17 =	vld [tilespmem:s20+$0x9A20];
	(pc) =	sbr.rel @p0 .LBB2_10-.Ltmp4, $4  }
0xcd: {  	v19 =	vld [tilespmem:s20+$0x9A30]  }
0xce: {  	v14 =	vld [tilespmem:s20+$0x9A40]  }
0xcf: {  	v15 =	vld [tilespmem:s20+$0x9A50]  }
0xd0: {  	s21 =	sadd.s32 $0x400, s21;
	v16 =	vld [tilespmem:s20+$0x9A60]  }
0xd1: {  	v10 =	vadd.f32 v18, v10;
	v11 =	vadd.f32 v20, v11  }
0xd2: {  	v56 =	vld [tilespmem:s20+$0x9A70];
	v12 =	vadd.f32 v17, v12;
	v13 =	vadd.f32 v19, v13  }
0xd3: {  	v57 =	vld [tilespmem:s20+$0x9AE0];
	v2 =	vadd.f32 v2, v10;
	v4 =	vadd.f32 v4, v11  }
0xd4: {  	v58 =	vld [tilespmem:s20+$0x9AF0];
	v3 =	vadd.f32 v3, v12;
	v6 =	vadd.f32 v14, v6  }
0xd5: {  	v5 =	vadd.f32 v5, v13;
	v8 =	vadd.f32 v15, v8  }
0xd6: {  	v9 =	vadd.f32 v16, v9;
	v0 =	vadd.f32 v0, v6  }
0xd7: {  	v59 =	vadd.f32 v56, v7;
	v1 =	vadd.f32 v1, v8  }
0xd8: {  	v60 =	vadd.f32 v57, v9;
	v0 =	vadd.f32 v0, v2  }
0xd9: {  	v61 =	vadd.f32 v58, v59;
	v1 =	vadd.f32 v1, v4  }
0xda: {  	[tilespmem:$0xEBC0] =	vst v0;
	v62 =	vadd.f32 v60, v3  }
0xdb: {  	s19 =	sadd.s32 $0x1, s19;
	[tilespmem:$0xEBD0] =	vst v1;
	v63 =	vadd.f32 v61, v5  }
0xdc: {  	p0 =	sne.s32 s19, s6;
	[tilespmem:$0xEBE0] =	vst v62  }
.Ltmp5:
0xdd: {  	[tilespmem:$0xEBF0] =	vst v63;
	(pc) =	sbr.rel @p0 .LBB2_1-.Ltmp5, $4  }
0xde: {  	[hbm4b:s5+s2] =	stream.linear.scatter [tilespmem:s18], [sflag:$0x3], $0x2000, $0x38;
	[tilespmem:$0xEC00] =	vst v63  }
0xdf: {  	_ =	swait.ge [sflag:s7], $0x2000  }
0xe0: {  	[sflag:s7] =	ssyncset.done $0x0  }
0xe1: {  	[sflag:s7] =	ssyncadd.s32 $0xFFFFE000  }
0xe2: {  	_ =	sfence.sel $0x180000  }
0xe3: {  	[bflag:$0x0] =	sbarrier.arrive $0xFFFF  }
0xe4: {  	p0 =	sne.s32 s0, $0x0;
	_ =	strace $0x90000047  }
0xe5: {  	s0 =	sadd.s32 @!p0 $0x100000, s1;
	[bflag:$0x2] =	sbarrier.arrive $0xFFFF  }
0xe6: {  	[sflag:s0] =	ssyncadd.tile.s32 @!p0 $0x1;
	_ =	shalt  }
.Lfunc_end2:
_tile_overlayer_lowered:
.L_overlay_start_2:
0xe7: {  	(tag) =	ssettag $0x2  }
0xe8: {  	s0 =	rddreg [dreg:$0x0];
	s2 =	stileid.u32  }
0xe9: {  	s1 =	rddreg [dreg:$0x1];
	p0 =	sne.s32 s2, $0x0  }
0xea: {  	s3 =	rddreg [dreg:$0x2];
	[bflag:$0x3] =	sbarrier.arrive $0xFFFF;
	s2 =	simm.s32 @!p0 $0x1C03  }
0xeb: {  	[timem:s3], [sflag:s2] =	dma.local @!p0 [hbm:s0], s1  }
0xec: {  	s0 =	simm.s32 @!p0 $0x3  }
0xed: {  	_ =	swait.ge @!p0 [sflag:s0], s1  }
0xee: {  	s1 =	ssub.s32 @!p0 $0x0, s1;
	[sflag:s0] =	ssyncset.done @!p0 $0x0  }
0xef: {  	[sflag:s0] =	ssyncadd.s32 @!p0 s1  }
0xf0: {  	[bflag:$0x3] =	sbarrier.arrive $0xFFFF  }
0xf1: {  	_ =	shalt  }

</sc_bundles>
